<compile_context>
chip_gen: v7x
topology: tpu7x:2x2x1
jax: 0.10.2.dev20260603
libtpu: 0.0.44.dev20260713+nightly
codegen_flags: <defaults>
</compile_context>

<pallas_src>
import functools

import jax
import jax.numpy as jnp
from jax import lax
from jax.experimental import pallas as pl
from jax.experimental.pallas import tpu as pltpu
from jax.experimental.pallas import tpu_sc as plsc

CH = 128
G = 4
ROWS_PER_GROUP = CH * G

VB = 8192
VB_SHIFT = 13


@functools.cache
def _make_sc_gather(NW, NGRP, D):
    mesh = plsc.VectorSubcoreMesh(core_axis_name="c", subcore_axis_name="s")
    info = plsc.get_sparse_core_info()
    NC = info.num_cores

    @functools.partial(
        pl.kernel,
        mesh=mesh,
        compiler_params=pltpu.CompilerParams(use_tc_tiling_on_sc=False),
        out_type=jax.ShapeDtypeStruct((NW, NGRP, ROWS_PER_GROUP, D), jnp.float32),
        scratch_types=[
            pltpu.VMEM((NGRP, G, CH), jnp.int32),
            pltpu.VMEM((2, ROWS_PER_GROUP, D), jnp.float32),
            pltpu.SemaphoreType.DMA,
            pltpu.SemaphoreType.DMA,
        ],
    )
    def sc_gather(table_hbm, idx_hbm, out_hbm, idx_v, rows_v, sem0, sem1):
        wid = lax.axis_index("s") * NC + lax.axis_index("c")
        pltpu.sync_copy(idx_hbm.at[wid], idx_v)
        sems = (sem0, sem1)

        def fire(g, b):
            for j in range(G):
                pltpu.async_copy(
                    table_hbm.at[idx_v.at[g, j]],
                    rows_v.at[b, pl.ds(j * CH, CH)],
                    sems[b],
                )

        def drain(b):
            pltpu.make_async_copy(
                table_hbm.at[pl.ds(0, ROWS_PER_GROUP)], rows_v.at[b], sems[b]
            ).wait()

        fire(0, 0)
        fire(1, 1)

        def body(i, carry):
            for b in range(2):
                g = 2 * i + b
                drain(b)
                pltpu.sync_copy(rows_v.at[b], out_hbm.at[wid, g])
                fire(g + 2, b)
            return carry

        lax.fori_loop(0, NGRP // 2 - 1, body, 0)
        for b in range(2):
            g = NGRP - 2 + b
            drain(b)
            pltpu.sync_copy(rows_v.at[b], out_hbm.at[wid, g])

    return sc_gather


def _project_body(t1_ref, t2_ref, w_ref, b2_ref, o_ref):
    w = w_ref[...]
    cn = (((0,), (0,)), ((), ()))
    z1 = lax.dot_general(t1_ref[...], w, cn,
                         preferred_element_type=jnp.float32)
    z2 = lax.dot_general(t2_ref[...], w, cn,
                         preferred_element_type=jnp.float32)
    z = jnp.concatenate([z1, z2], axis=1)
    o_ref[...] = z + b2_ref[...]


def _project_table(table_t, Wt, b2):
    d_in, vocab = table_t.shape
    grid = pl.cdiv(vocab, 2 * VB)
    n2 = grid * VB
    last = pl.cdiv(vocab, VB) - 1
    return pl.pallas_call(
        _project_body,
        grid=(grid,),
        in_specs=[
            pl.BlockSpec((d_in, VB), lambda i: (0, jnp.minimum(2 * i, last))),
            pl.BlockSpec(
                (d_in, VB), lambda i: (0, jnp.minimum(2 * i + 1, last))
            ),
            pl.BlockSpec((d_in, d_in), lambda i: (0, 0)),
            pl.BlockSpec((1, 128), lambda i: (0, 0)),
        ],
        out_specs=pl.BlockSpec((VB, 128), lambda i: (i, 0)),
        out_shape=jax.ShapeDtypeStruct((n2, 128), jnp.float32),
    )(table_t, table_t, Wt, b2)


def _make_unpack_body(half_blocks):
    def _unpack_body(g_ref, o_ref):
        t_all = g_ref[0].T
        half = pl.program_id(1) >= half_blocks
        o_ref[0] = jnp.where(half, t_all[64:], t_all[:64])
    return _unpack_body


def _transpose_out(g_packed, seq, batch, d_out):
    cb = 8192
    half_blocks = (batch // 2) // cb
    return pl.pallas_call(
        _make_unpack_body(half_blocks),
        grid=(seq, 2 * half_blocks),
        in_specs=[
            pl.BlockSpec((1, cb, 128),
                         lambda s, j: (s, lax.rem(j, half_blocks), 0)),
        ],
        out_specs=pl.BlockSpec((1, d_out, cb), lambda s, j: (s, 0, j)),
        out_shape=jax.ShapeDtypeStruct((seq, d_out, batch), jnp.float32),
    )(g_packed)


def kernel(indices, table, W, b):
    batch, seq = indices.shape
    vocab, d = table.shape
    d_out = W.shape[1]
    n_rows = batch * seq

    table_t = jnp.transpose(table)
    idx_t = jnp.transpose(indices.astype(jnp.int32))

    u2 = _project_table(table_t, W, jnp.tile(b, 2).reshape(1, 2 * d_out))
    u_rows = u2.reshape(u2.shape[0] * 2, d_out)

    t_tile = idx_t >> VB_SHIFT
    v_packed = (
        (((t_tile >> 1) << VB_SHIFT) | (idx_t & (VB - 1))) * 2 + (t_tile & 1)
    )
    idx_feed = (
        v_packed.reshape(seq, 2, batch // 2)
        .transpose(0, 2, 1)
        .reshape(seq, batch)
    )

    info = plsc.get_sparse_core_info()
    NW = info.num_cores * info.num_subcores
    per_w = n_rows // NW
    assert per_w * NW == n_rows and per_w % ROWS_PER_GROUP == 0
    ngrp = per_w // ROWS_PER_GROUP

    idx4 = idx_feed.reshape(NW, ngrp, G, CH)
    gathered = _make_sc_gather(NW, ngrp, d_out)(u_rows, idx4)

    g_packed = gathered.reshape(seq, batch // 2, 2 * d_out)
    p = _transpose_out(g_packed, seq, batch, d_out)
    return jnp.transpose(p, (2, 0, 1))

# --- scband reference (transcript-rebuilt; emitter-appended) ---
"""Pipeline reference for scband-custom-model-75265006895278 (READ-ONLY COPY).

The authoritative reference and input builder live on the scoring server;
editing this copy changes nothing except your own understanding.
"""

import jax, jax.numpy as jnp
import numpy as np

VOCAB = 1000000
EMBED_DIM = 64
SEQ_LEN = 50
BATCH = 16384
DENSE_UNITS = 64

def setup_inputs(seed: int = 0) -> dict:
    key = jax.random.key(seed)
    k1, k2, k3, k4 = jax.random.split(key, 4)
    indices = jax.random.randint(k1, (BATCH, SEQ_LEN), 0, VOCAB, dtype=jnp.int64 if jax.config.jax_enable_x64 else jnp.int32)
    table = jax.random.normal(k2, (VOCAB, EMBED_DIM), dtype=jnp.float32) * 0.02
    W = jax.random.normal(k3, (EMBED_DIM, DENSE_UNITS), dtype=jnp.float32) * (1.0 / np.sqrt(EMBED_DIM))
    b = jnp.zeros((DENSE_UNITS,), dtype=jnp.float32)
    return {"indices": indices, "table": table, "W": W, "b": b}

def reference(indices, table, W, b):
    # CustomEmbeddingLayer: embedding lookup (gather rows)
    x = jnp.take(table, indices, axis=0)  # [B, L, D]
    # Dense layer applied on last axis
    out = jnp.dot(x, W) + b  # [B, L, units]
    return out

if __name__ == "__main__":
    import jax
    _d = setup_inputs()
    print(jax.jit(kernel)(*tuple(_d.values())))

</pallas_src>

<mosaic_0001>
#map = affine_map<(d0, d1) -> (0, 0)>
#map1 = affine_map<(d0, d1) -> (0, 0, 0, 0)>
module attributes {stable_mosaic.version = 14 : i64} {
  func.func @sc_gather(%arg0: i32, %arg1: i32, %arg2: memref<1015808x64xf32, #tpu.memory_space<hbm>>, %arg3: memref<32x50x4x128xi32, #tpu.memory_space<hbm>>, %arg4: memref<32x50x512x64xf32, #tpu.memory_space<hbm>>, %arg5: memref<50x4x128xi32, #tpu.memory_space<vmem>>, %arg6: memref<2x512x64xf32, #tpu.memory_space<vmem>>, %arg7: memref<!tpu.dma_semaphore, #tpu.memory_space<semaphore_mem>>, %arg8: memref<!tpu.dma_semaphore, #tpu.memory_space<semaphore_mem>>) attributes {dimension_semantics = [#tpu.dimension_semantics<core_parallel>, #tpu.dimension_semantics<subcore_parallel>], iteration_bounds = array<i64: 2, 16>, scalar_prefetch = 0 : i64, scratch_operands = 4 : i64, tpu.core_type = #tpu.core_type<sc_vector_subcore>, window_params = [{transform_indices = #map}, {transform_indices = #map1}, {transform_indices = #map1}]} {
    %mul3A = arith.constant 2 : i32
    %mul3A_0 = arith.muli %arg1, %mul3A : i32
    %add3A = arith.addi %mul3A_0, %arg0 : i32
    "tpu.region"() ({
      %run_scoped3A_141 = tpu.sem_alloc : memref<!tpu.dma_semaphore, #tpu.memory_space<semaphore_mem>>
      %dma_start3A_142 = arith.constant 0 : i32
      %dma_start3A_143 = arith.constant 0 : i32
      %dma_start3A_144 = arith.constant 0 : i32
      %dma_start3A_145 = tpu.memref_slice %arg3[%add3A, %dma_start3A_142, %dma_start3A_143, %dma_start3A_144] : memref<32x50x4x128xi32, #tpu.memory_space<hbm>> -> memref<1x50x4x128xi32, #tpu.memory_space<hbm>>
      %dma_start3A_146 = tpu.memref_squeeze %dma_start3A_145 : memref<1x50x4x128xi32, #tpu.memory_space<hbm>> -> memref<50x4x128xi32, #tpu.memory_space<hbm>>
      %dma_start3A_147 = arith.constant 0 : i32
      %dma_start3A_148 = arith.constant 0 : i32
      %dma_start3A_149 = arith.constant 0 : i32
      %dma_start3A_150 = tpu.memref_slice %arg3[%add3A, %dma_start3A_147, %dma_start3A_148, %dma_start3A_149] : memref<32x50x4x128xi32, #tpu.memory_space<hbm>> -> memref<1x50x4x128xi32, #tpu.memory_space<hbm>>
      %dma_start3A_151 = tpu.memref_squeeze %dma_start3A_150 : memref<1x50x4x128xi32, #tpu.memory_space<hbm>> -> memref<50x4x128xi32, #tpu.memory_space<hbm>>
      tpu.enqueue_dma source(%dma_start3A_151 : memref<50x4x128xi32, #tpu.memory_space<hbm>>) target(%arg5 : memref<50x4x128xi32, #tpu.memory_space<vmem>>) target_semaphore(%run_scoped3A_141 : memref<!tpu.dma_semaphore, #tpu.memory_space<semaphore_mem>>)
      %dma_wait3A_152 = arith.constant 0 : i32
      %dma_wait3A_153 = arith.constant 0 : i32
      %dma_wait3A_154 = arith.constant 0 : i32
      %dma_wait3A_155 = tpu.memref_slice %arg3[%add3A, %dma_wait3A_152, %dma_wait3A_153, %dma_wait3A_154] : memref<32x50x4x128xi32, #tpu.memory_space<hbm>> -> memref<1x50x4x128xi32, #tpu.memory_space<hbm>>
      %dma_wait3A_156 = tpu.memref_squeeze %dma_wait3A_155 : memref<1x50x4x128xi32, #tpu.memory_space<hbm>> -> memref<50x4x128xi32, #tpu.memory_space<hbm>>
      %dma_wait3A_157 = arith.constant 0 : i32
      %dma_wait3A_158 = arith.constant 0 : i32
      %dma_wait3A_159 = arith.constant 0 : i32
      %dma_wait3A_160 = tpu.memref_slice %arg3[%add3A, %dma_wait3A_157, %dma_wait3A_158, %dma_wait3A_159] : memref<32x50x4x128xi32, #tpu.memory_space<hbm>> -> memref<1x50x4x128xi32, #tpu.memory_space<hbm>>
      %dma_wait3A_161 = tpu.memref_squeeze %dma_wait3A_160 : memref<1x50x4x128xi32, #tpu.memory_space<hbm>> -> memref<50x4x128xi32, #tpu.memory_space<hbm>>
      tpu.wait_dma2 semaphore(%run_scoped3A_141 : memref<!tpu.dma_semaphore, #tpu.memory_space<semaphore_mem>>) src(%dma_wait3A_161 : memref<50x4x128xi32, #tpu.memory_space<hbm>>) dst(%arg5 : memref<50x4x128xi32, #tpu.memory_space<vmem>>)
      tpu.yield
    }) : () -> ()
    %dma_start3A = arith.constant 0 : i32
    %dma_start3A_1 = arith.constant 0 : i32
    %dma_start3A_2 = arith.constant 0 : i32
    %dma_start3A_3 = arith.constant 0 : i32
    %dma_start3A_4 = arith.constant 0 : i32
    %dma_start3A_5 = tpu.memref_slice %arg6[%dma_start3A_2, %dma_start3A_3, %dma_start3A_4] : memref<2x512x64xf32, #tpu.memory_space<vmem>> -> memref<1x128x64xf32, #tpu.memory_space<vmem>>
    %dma_start3A_6 = tpu.memref_squeeze %dma_start3A_5 : memref<1x128x64xf32, #tpu.memory_space<vmem>> -> memref<128x64xf32, #tpu.memory_space<vmem>>
    %dma_start3A_7 = arith.constant 0 : i32
    %dma_start3A_8 = tpu.memref_slice %arg5[%dma_start3A, %dma_start3A_1, %dma_start3A_7] : memref<50x4x128xi32, #tpu.memory_space<vmem>> -> memref<1x1x128xi32, #tpu.memory_space<vmem>>
    %dma_start3A_9 = tpu.memref_squeeze %dma_start3A_8 : memref<1x1x128xi32, #tpu.memory_space<vmem>> -> memref<128xi32, #tpu.memory_space<vmem>>
    %dma_start3A_10 = arith.constant 0 : i32
    %dma_start3A_11 = arith.constant 0 : i32
    %dma_start3A_12 = tpu.memref_slice %arg2[%dma_start3A_10, %dma_start3A_11] : memref<1015808x64xf32, #tpu.memory_space<hbm>> -> memref<1015808x64xf32, #tpu.memory_space<hbm>>
    tpu.enqueue_indirect_dma source(%dma_start3A_12 : memref<1015808x64xf32, #tpu.memory_space<hbm>>) target(%dma_start3A_6 : memref<128x64xf32, #tpu.memory_space<vmem>>) offsets(%dma_start3A_9 : memref<128xi32, #tpu.memory_space<vmem>>) semaphore(%arg7 : memref<!tpu.dma_semaphore, #tpu.memory_space<semaphore_mem>>)
    %dma_start3A_13 = arith.constant 0 : i32
    %dma_start3A_14 = arith.constant 1 : i32
    %dma_start3A_15 = arith.constant 0 : i32
    %dma_start3A_16 = arith.constant 128 : i32
    %dma_start3A_17 = arith.constant 0 : i32
    %dma_start3A_18 = tpu.memref_slice %arg6[%dma_start3A_15, %dma_start3A_16, %dma_start3A_17] : memref<2x512x64xf32, #tpu.memory_space<vmem>> -> memref<1x128x64xf32, #tpu.memory_space<vmem>>
    %dma_start3A_19 = tpu.memref_squeeze %dma_start3A_18 : memref<1x128x64xf32, #tpu.memory_space<vmem>> -> memref<128x64xf32, #tpu.memory_space<vmem>>
    %dma_start3A_20 = arith.constant 0 : i32
    %dma_start3A_21 = tpu.memref_slice %arg5[%dma_start3A_13, %dma_start3A_14, %dma_start3A_20] : memref<50x4x128xi32, #tpu.memory_space<vmem>> -> memref<1x1x128xi32, #tpu.memory_space<vmem>>
    %dma_start3A_22 = tpu.memref_squeeze %dma_start3A_21 : memref<1x1x128xi32, #tpu.memory_space<vmem>> -> memref<128xi32, #tpu.memory_space<vmem>>
    %dma_start3A_23 = arith.constant 0 : i32
    %dma_start3A_24 = arith.constant 0 : i32
    %dma_start3A_25 = tpu.memref_slice %arg2[%dma_start3A_23, %dma_start3A_24] : memref<1015808x64xf32, #tpu.memory_space<hbm>> -> memref<1015808x64xf32, #tpu.memory_space<hbm>>
    tpu.enqueue_indirect_dma source(%dma_start3A_25 : memref<1015808x64xf32, #tpu.memory_space<hbm>>) target(%dma_start3A_19 : memref<128x64xf32, #tpu.memory_space<vmem>>) offsets(%dma_start3A_22 : memref<128xi32, #tpu.memory_space<vmem>>) semaphore(%arg7 : memref<!tpu.dma_semaphore, #tpu.memory_space<semaphore_mem>>)
    %dma_start3A_26 = arith.constant 0 : i32
    %dma_start3A_27 = arith.constant 2 : i32
    %dma_start3A_28 = arith.constant 0 : i32
    %dma_start3A_29 = arith.constant 256 : i32
    %dma_start3A_30 = arith.constant 0 : i32
    %dma_start3A_31 = tpu.memref_slice %arg6[%dma_start3A_28, %dma_start3A_29, %dma_start3A_30] : memref<2x512x64xf32, #tpu.memory_space<vmem>> -> memref<1x128x64xf32, #tpu.memory_space<vmem>>
    %dma_start3A_32 = tpu.memref_squeeze %dma_start3A_31 : memref<1x128x64xf32, #tpu.memory_space<vmem>> -> memref<128x64xf32, #tpu.memory_space<vmem>>
    %dma_start3A_33 = arith.constant 0 : i32
    %dma_start3A_34 = tpu.memref_slice %arg5[%dma_start3A_26, %dma_start3A_27, %dma_start3A_33] : memref<50x4x128xi32, #tpu.memory_space<vmem>> -> memref<1x1x128xi32, #tpu.memory_space<vmem>>
    %dma_start3A_35 = tpu.memref_squeeze %dma_start3A_34 : memref<1x1x128xi32, #tpu.memory_space<vmem>> -> memref<128xi32, #tpu.memory_space<vmem>>
    %dma_start3A_36 = arith.constant 0 : i32
    %dma_start3A_37 = arith.constant 0 : i32
    %dma_start3A_38 = tpu.memref_slice %arg2[%dma_start3A_36, %dma_start3A_37] : memref<1015808x64xf32, #tpu.memory_space<hbm>> -> memref<1015808x64xf32, #tpu.memory_space<hbm>>
    tpu.enqueue_indirect_dma source(%dma_start3A_38 : memref<1015808x64xf32, #tpu.memory_space<hbm>>) target(%dma_start3A_32 : memref<128x64xf32, #tpu.memory_space<vmem>>) offsets(%dma_start3A_35 : memref<128xi32, #tpu.memory_space<vmem>>) semaphore(%arg7 : memref<!tpu.dma_semaphore, #tpu.memory_space<semaphore_mem>>)
    %dma_start3A_39 = arith.constant 0 : i32
    %dma_start3A_40 = arith.constant 3 : i32
    %dma_start3A_41 = arith.constant 0 : i32
    %dma_start3A_42 = arith.constant 384 : i32
    %dma_start3A_43 = arith.constant 0 : i32
    %dma_start3A_44 = tpu.memref_slice %arg6[%dma_start3A_41, %dma_start3A_42, %dma_start3A_43] : memref<2x512x64xf32, #tpu.memory_space<vmem>> -> memref<1x128x64xf32, #tpu.memory_space<vmem>>
    %dma_start3A_45 = tpu.memref_squeeze %dma_start3A_44 : memref<1x128x64xf32, #tpu.memory_space<vmem>> -> memref<128x64xf32, #tpu.memory_space<vmem>>
    %dma_start3A_46 = arith.constant 0 : i32
    %dma_start3A_47 = tpu.memref_slice %arg5[%dma_start3A_39, %dma_start3A_40, %dma_start3A_46] : memref<50x4x128xi32, #tpu.memory_space<vmem>> -> memref<1x1x128xi32, #tpu.memory_space<vmem>>
    %dma_start3A_48 = tpu.memref_squeeze %dma_start3A_47 : memref<1x1x128xi32, #tpu.memory_space<vmem>> -> memref<128xi32, #tpu.memory_space<vmem>>
    %dma_start3A_49 = arith.constant 0 : i32
    %dma_start3A_50 = arith.constant 0 : i32
    %dma_start3A_51 = tpu.memref_slice %arg2[%dma_start3A_49, %dma_start3A_50] : memref<1015808x64xf32, #tpu.memory_space<hbm>> -> memref<1015808x64xf32, #tpu.memory_space<hbm>>
    tpu.enqueue_indirect_dma source(%dma_start3A_51 : memref<1015808x64xf32, #tpu.memory_space<hbm>>) target(%dma_start3A_45 : memref<128x64xf32, #tpu.memory_space<vmem>>) offsets(%dma_start3A_48 : memref<128xi32, #tpu.memory_space<vmem>>) semaphore(%arg7 : memref<!tpu.dma_semaphore, #tpu.memory_space<semaphore_mem>>)
    %dma_start3A_52 = arith.constant 1 : i32
    %dma_start3A_53 = arith.constant 0 : i32
    %dma_start3A_54 = arith.constant 1 : i32
    %dma_start3A_55 = arith.constant 0 : i32
    %dma_start3A_56 = arith.constant 0 : i32
    %dma_start3A_57 = tpu.memref_slice %arg6[%dma_start3A_54, %dma_start3A_55, %dma_start3A_56] : memref<2x512x64xf32, #tpu.memory_space<vmem>> -> memref<1x128x64xf32, #tpu.memory_space<vmem>>
    %dma_start3A_58 = tpu.memref_squeeze %dma_start3A_57 : memref<1x128x64xf32, #tpu.memory_space<vmem>> -> memref<128x64xf32, #tpu.memory_space<vmem>>
    %dma_start3A_59 = arith.constant 0 : i32
    %dma_start3A_60 = tpu.memref_slice %arg5[%dma_start3A_52, %dma_start3A_53, %dma_start3A_59] : memref<50x4x128xi32, #tpu.memory_space<vmem>> -> memref<1x1x128xi32, #tpu.memory_space<vmem>>
    %dma_start3A_61 = tpu.memref_squeeze %dma_start3A_60 : memref<1x1x128xi32, #tpu.memory_space<vmem>> -> memref<128xi32, #tpu.memory_space<vmem>>
    %dma_start3A_62 = arith.constant 0 : i32
    %dma_start3A_63 = arith.constant 0 : i32
    %dma_start3A_64 = tpu.memref_slice %arg2[%dma_start3A_62, %dma_start3A_63] : memref<1015808x64xf32, #tpu.memory_space<hbm>> -> memref<1015808x64xf32, #tpu.memory_space<hbm>>
    tpu.enqueue_indirect_dma source(%dma_start3A_64 : memref<1015808x64xf32, #tpu.memory_space<hbm>>) target(%dma_start3A_58 : memref<128x64xf32, #tpu.memory_space<vmem>>) offsets(%dma_start3A_61 : memref<128xi32, #tpu.memory_space<vmem>>) semaphore(%arg8 : memref<!tpu.dma_semaphore, #tpu.memory_space<semaphore_mem>>)
    %dma_start3A_65 = arith.constant 1 : i32
    %dma_start3A_66 = arith.constant 1 : i32
    %dma_start3A_67 = arith.constant 1 : i32
    %dma_start3A_68 = arith.constant 128 : i32
    %dma_start3A_69 = arith.constant 0 : i32
    %dma_start3A_70 = tpu.memref_slice %arg6[%dma_start3A_67, %dma_start3A_68, %dma_start3A_69] : memref<2x512x64xf32, #tpu.memory_space<vmem>> -> memref<1x128x64xf32, #tpu.memory_space<vmem>>
    %dma_start3A_71 = tpu.memref_squeeze %dma_start3A_70 : memref<1x128x64xf32, #tpu.memory_space<vmem>> -> memref<128x64xf32, #tpu.memory_space<vmem>>
    %dma_start3A_72 = arith.constant 0 : i32
    %dma_start3A_73 = tpu.memref_slice %arg5[%dma_start3A_65, %dma_start3A_66, %dma_start3A_72] : memref<50x4x128xi32, #tpu.memory_space<vmem>> -> memref<1x1x128xi32, #tpu.memory_space<vmem>>
    %dma_start3A_74 = tpu.memref_squeeze %dma_start3A_73 : memref<1x1x128xi32, #tpu.memory_space<vmem>> -> memref<128xi32, #tpu.memory_space<vmem>>
    %dma_start3A_75 = arith.constant 0 : i32
    %dma_start3A_76 = arith.constant 0 : i32
    %dma_start3A_77 = tpu.memref_slice %arg2[%dma_start3A_75, %dma_start3A_76] : memref<1015808x64xf32, #tpu.memory_space<hbm>> -> memref<1015808x64xf32, #tpu.memory_space<hbm>>
    tpu.enqueue_indirect_dma source(%dma_start3A_77 : memref<1015808x64xf32, #tpu.memory_space<hbm>>) target(%dma_start3A_71 : memref<128x64xf32, #tpu.memory_space<vmem>>) offsets(%dma_start3A_74 : memref<128xi32, #tpu.memory_space<vmem>>) semaphore(%arg8 : memref<!tpu.dma_semaphore, #tpu.memory_space<semaphore_mem>>)
    %dma_start3A_78 = arith.constant 1 : i32
    %dma_start3A_79 = arith.constant 2 : i32
    %dma_start3A_80 = arith.constant 1 : i32
    %dma_start3A_81 = arith.constant 256 : i32
    %dma_start3A_82 = arith.constant 0 : i32
    %dma_start3A_83 = tpu.memref_slice %arg6[%dma_start3A_80, %dma_start3A_81, %dma_start3A_82] : memref<2x512x64xf32, #tpu.memory_space<vmem>> -> memref<1x128x64xf32, #tpu.memory_space<vmem>>
    %dma_start3A_84 = tpu.memref_squeeze %dma_start3A_83 : memref<1x128x64xf32, #tpu.memory_space<vmem>> -> memref<128x64xf32, #tpu.memory_space<vmem>>
    %dma_start3A_85 = arith.constant 0 : i32
    %dma_start3A_86 = tpu.memref_slice %arg5[%dma_start3A_78, %dma_start3A_79, %dma_start3A_85] : memref<50x4x128xi32, #tpu.memory_space<vmem>> -> memref<1x1x128xi32, #tpu.memory_space<vmem>>
    %dma_start3A_87 = tpu.memref_squeeze %dma_start3A_86 : memref<1x1x128xi32, #tpu.memory_space<vmem>> -> memref<128xi32, #tpu.memory_space<vmem>>
    %dma_start3A_88 = arith.constant 0 : i32
    %dma_start3A_89 = arith.constant 0 : i32
    %dma_start3A_90 = tpu.memref_slice %arg2[%dma_start3A_88, %dma_start3A_89] : memref<1015808x64xf32, #tpu.memory_space<hbm>> -> memref<1015808x64xf32, #tpu.memory_space<hbm>>
    tpu.enqueue_indirect_dma source(%dma_start3A_90 : memref<1015808x64xf32, #tpu.memory_space<hbm>>) target(%dma_start3A_84 : memref<128x64xf32, #tpu.memory_space<vmem>>) offsets(%dma_start3A_87 : memref<128xi32, #tpu.memory_space<vmem>>) semaphore(%arg8 : memref<!tpu.dma_semaphore, #tpu.memory_space<semaphore_mem>>)
    %dma_start3A_91 = arith.constant 1 : i32
    %dma_start3A_92 = arith.constant 3 : i32
    %dma_start3A_93 = arith.constant 1 : i32
    %dma_start3A_94 = arith.constant 384 : i32
    %dma_start3A_95 = arith.constant 0 : i32
    %dma_start3A_96 = tpu.memref_slice %arg6[%dma_start3A_93, %dma_start3A_94, %dma_start3A_95] : memref<2x512x64xf32, #tpu.memory_space<vmem>> -> memref<1x128x64xf32, #tpu.memory_space<vmem>>
    %dma_start3A_97 = tpu.memref_squeeze %dma_start3A_96 : memref<1x128x64xf32, #tpu.memory_space<vmem>> -> memref<128x64xf32, #tpu.memory_space<vmem>>
    %dma_start3A_98 = arith.constant 0 : i32
    %dma_start3A_99 = tpu.memref_slice %arg5[%dma_start3A_91, %dma_start3A_92, %dma_start3A_98] : memref<50x4x128xi32, #tpu.memory_space<vmem>> -> memref<1x1x128xi32, #tpu.memory_space<vmem>>
    %dma_start3A_100 = tpu.memref_squeeze %dma_start3A_99 : memref<1x1x128xi32, #tpu.memory_space<vmem>> -> memref<128xi32, #tpu.memory_space<vmem>>
    %dma_start3A_101 = arith.constant 0 : i32
    %dma_start3A_102 = arith.constant 0 : i32
    %dma_start3A_103 = tpu.memref_slice %arg2[%dma_start3A_101, %dma_start3A_102] : memref<1015808x64xf32, #tpu.memory_space<hbm>> -> memref<1015808x64xf32, #tpu.memory_space<hbm>>
    tpu.enqueue_indirect_dma source(%dma_start3A_103 : memref<1015808x64xf32, #tpu.memory_space<hbm>>) target(%dma_start3A_97 : memref<128x64xf32, #tpu.memory_space<vmem>>) offsets(%dma_start3A_100 : memref<128xi32, #tpu.memory_space<vmem>>) semaphore(%arg8 : memref<!tpu.dma_semaphore, #tpu.memory_space<semaphore_mem>>)
    %scan3A = arith.constant 0 : i32
    %scan3A_104 = arith.constant 0 : i32
    %scan3A_105 = arith.constant 24 : i32
    %scan3A_106 = arith.addi %scan3A_104, %scan3A_105 : i32
    %scan3A_107 = arith.constant 1 : i32
    scf.for %scan3A_141 = %scan3A_104 to %scan3A_106 step %scan3A_107  : i32 {
      %mul3A_142 = arith.constant 2 : i32
      %mul3A_143 = arith.muli %mul3A_142, %scan3A_141 : i32
      %add3A_144 = arith.constant 0 : i32
      %add3A_145 = arith.addi %mul3A_143, %add3A_144 : i32
      %dma_wait3A_146 = arith.constant 0 : i32
      %dma_wait3A_147 = arith.constant 0 : i32
      %dma_wait3A_148 = arith.constant 0 : i32
      %dma_wait3A_149 = tpu.memref_slice %arg6[%dma_wait3A_146, %dma_wait3A_147, %dma_wait3A_148] : memref<2x512x64xf32, #tpu.memory_space<vmem>> -> memref<1x512x64xf32, #tpu.memory_space<vmem>>
      %dma_wait3A_150 = tpu.memref_squeeze %dma_wait3A_149 : memref<1x512x64xf32, #tpu.memory_space<vmem>> -> memref<512x64xf32, #tpu.memory_space<vmem>>
      %dma_wait3A_151 = arith.constant 0 : i32
      %dma_wait3A_152 = arith.constant 0 : i32
      %dma_wait3A_153 = tpu.memref_slice %arg2[%dma_wait3A_151, %dma_wait3A_152] : memref<1015808x64xf32, #tpu.memory_space<hbm>> -> memref<512x64xf32, #tpu.memory_space<hbm>>
      %dma_wait3A_154 = arith.constant 0 : i32
      %dma_wait3A_155 = arith.constant 0 : i32
      %dma_wait3A_156 = tpu.memref_slice %arg6[%dma_wait3A_146, %dma_wait3A_154, %dma_wait3A_155] : memref<2x512x64xf32, #tpu.memory_space<vmem>> -> memref<1x512x64xf32, #tpu.memory_space<vmem>>
      %dma_wait3A_157 = tpu.memref_squeeze %dma_wait3A_156 : memref<1x512x64xf32, #tpu.memory_space<vmem>> -> memref<512x64xf32, #tpu.memory_space<vmem>>
      %dma_wait3A_158 = arith.constant 0 : i32
      %dma_wait3A_159 = arith.constant 0 : i32
      %dma_wait3A_160 = tpu.memref_slice %arg2[%dma_wait3A_158, %dma_wait3A_159] : memref<1015808x64xf32, #tpu.memory_space<hbm>> -> memref<512x64xf32, #tpu.memory_space<hbm>>
      tpu.wait_dma2 semaphore(%arg7 : memref<!tpu.dma_semaphore, #tpu.memory_space<semaphore_mem>>) src(%dma_wait3A_160 : memref<512x64xf32, #tpu.memory_space<hbm>>) dst(%dma_wait3A_157 : memref<512x64xf32, #tpu.memory_space<vmem>>)
      %run_scoped3A_161 = arith.constant 0 : i32
      "tpu.region"() ({
        %run_scoped3A_282 = tpu.sem_alloc : memref<!tpu.dma_semaphore, #tpu.memory_space<semaphore_mem>>
        %dma_start3A_283 = arith.constant 0 : i32
        %dma_start3A_284 = arith.constant 0 : i32
        %dma_start3A_285 = tpu.memref_slice %arg6[%run_scoped3A_161, %dma_start3A_283, %dma_start3A_284] : memref<2x512x64xf32, #tpu.memory_space<vmem>> -> memref<1x512x64xf32, #tpu.memory_space<vmem>>
        %dma_start3A_286 = tpu.memref_squeeze %dma_start3A_285 : memref<1x512x64xf32, #tpu.memory_space<vmem>> -> memref<512x64xf32, #tpu.memory_space<vmem>>
        %dma_start3A_287 = arith.constant 0 : i32
        %dma_start3A_288 = arith.constant 0 : i32
        %dma_start3A_289 = tpu.memref_slice %arg4[%add3A, %add3A_145, %dma_start3A_287, %dma_start3A_288] : memref<32x50x512x64xf32, #tpu.memory_space<hbm>> -> memref<1x1x512x64xf32, #tpu.memory_space<hbm>>
        %dma_start3A_290 = tpu.memref_squeeze %dma_start3A_289 : memref<1x1x512x64xf32, #tpu.memory_space<hbm>> -> memref<512x64xf32, #tpu.memory_space<hbm>>
        %dma_start3A_291 = arith.constant 0 : i32
        %dma_start3A_292 = arith.constant 0 : i32
        %dma_start3A_293 = tpu.memref_slice %arg4[%add3A, %add3A_145, %dma_start3A_291, %dma_start3A_292] : memref<32x50x512x64xf32, #tpu.memory_space<hbm>> -> memref<1x1x512x64xf32, #tpu.memory_space<hbm>>
        %dma_start3A_294 = tpu.memref_squeeze %dma_start3A_293 : memref<1x1x512x64xf32, #tpu.memory_space<hbm>> -> memref<512x64xf32, #tpu.memory_space<hbm>>
        %dma_start3A_295 = arith.constant 0 : i32
        %dma_start3A_296 = arith.constant 0 : i32
        %dma_start3A_297 = tpu.memref_slice %arg6[%run_scoped3A_161, %dma_start3A_295, %dma_start3A_296] : memref<2x512x64xf32, #tpu.memory_space<vmem>> -> memref<1x512x64xf32, #tpu.memory_space<vmem>>
        %dma_start3A_298 = tpu.memref_squeeze %dma_start3A_297 : memref<1x512x64xf32, #tpu.memory_space<vmem>> -> memref<512x64xf32, #tpu.memory_space<vmem>>
        tpu.enqueue_dma source(%dma_start3A_298 : memref<512x64xf32, #tpu.memory_space<vmem>>) target(%dma_start3A_294 : memref<512x64xf32, #tpu.memory_space<hbm>>) target_semaphore(%run_scoped3A_282 : memref<!tpu.dma_semaphore, #tpu.memory_space<semaphore_mem>>)
        %dma_wait3A_299 = arith.constant 0 : i32
        %dma_wait3A_300 = arith.constant 0 : i32
        %dma_wait3A_301 = tpu.memref_slice %arg6[%run_scoped3A_161, %dma_wait3A_299, %dma_wait3A_300] : memref<2x512x64xf32, #tpu.memory_space<vmem>> -> memref<1x512x64xf32, #tpu.memory_space<vmem>>
        %dma_wait3A_302 = tpu.memref_squeeze %dma_wait3A_301 : memref<1x512x64xf32, #tpu.memory_space<vmem>> -> memref<512x64xf32, #tpu.memory_space<vmem>>
        %dma_wait3A_303 = arith.constant 0 : i32
        %dma_wait3A_304 = arith.constant 0 : i32
        %dma_wait3A_305 = tpu.memref_slice %arg4[%add3A, %add3A_145, %dma_wait3A_303, %dma_wait3A_304] : memref<32x50x512x64xf32, #tpu.memory_space<hbm>> -> memref<1x1x512x64xf32, #tpu.memory_space<hbm>>
        %dma_wait3A_306 = tpu.memref_squeeze %dma_wait3A_305 : memref<1x1x512x64xf32, #tpu.memory_space<hbm>> -> memref<512x64xf32, #tpu.memory_space<hbm>>
        %dma_wait3A_307 = arith.constant 0 : i32
        %dma_wait3A_308 = arith.constant 0 : i32
        %dma_wait3A_309 = tpu.memref_slice %arg4[%add3A, %add3A_145, %dma_wait3A_307, %dma_wait3A_308] : memref<32x50x512x64xf32, #tpu.memory_space<hbm>> -> memref<1x1x512x64xf32, #tpu.memory_space<hbm>>
        %dma_wait3A_310 = tpu.memref_squeeze %dma_wait3A_309 : memref<1x1x512x64xf32, #tpu.memory_space<hbm>> -> memref<512x64xf32, #tpu.memory_space<hbm>>
        %dma_wait3A_311 = arith.constant 0 : i32
        %dma_wait3A_312 = arith.constant 0 : i32
        %dma_wait3A_313 = tpu.memref_slice %arg6[%run_scoped3A_161, %dma_wait3A_311, %dma_wait3A_312] : memref<2x512x64xf32, #tpu.memory_space<vmem>> -> memref<1x512x64xf32, #tpu.memory_space<vmem>>
        %dma_wait3A_314 = tpu.memref_squeeze %dma_wait3A_313 : memref<1x512x64xf32, #tpu.memory_space<vmem>> -> memref<512x64xf32, #tpu.memory_space<vmem>>
        tpu.wait_dma2 semaphore(%run_scoped3A_282 : memref<!tpu.dma_semaphore, #tpu.memory_space<semaphore_mem>>) src(%dma_wait3A_314 : memref<512x64xf32, #tpu.memory_space<vmem>>) dst(%dma_wait3A_310 : memref<512x64xf32, #tpu.memory_space<hbm>>)
        tpu.yield
      }) : () -> ()
      %add3A_162 = arith.constant 2 : i32
      %add3A_163 = arith.addi %add3A_145, %add3A_162 : i32
      %dma_start3A_164 = arith.constant 0 : i32
      %dma_start3A_165 = arith.constant 0 : i32
      %dma_start3A_166 = arith.constant 0 : i32
      %dma_start3A_167 = arith.constant 0 : i32
      %dma_start3A_168 = tpu.memref_slice %arg6[%dma_start3A_165, %dma_start3A_166, %dma_start3A_167] : memref<2x512x64xf32, #tpu.memory_space<vmem>> -> memref<1x128x64xf32, #tpu.memory_space<vmem>>
      %dma_start3A_169 = tpu.memref_squeeze %dma_start3A_168 : memref<1x128x64xf32, #tpu.memory_space<vmem>> -> memref<128x64xf32, #tpu.memory_space<vmem>>
      %dma_start3A_170 = arith.constant 0 : i32
      %dma_start3A_171 = tpu.memref_slice %arg5[%add3A_163, %dma_start3A_164, %dma_start3A_170] : memref<50x4x128xi32, #tpu.memory_space<vmem>> -> memref<1x1x128xi32, #tpu.memory_space<vmem>>
      %dma_start3A_172 = tpu.memref_squeeze %dma_start3A_171 : memref<1x1x128xi32, #tpu.memory_space<vmem>> -> memref<128xi32, #tpu.memory_space<vmem>>
      %dma_start3A_173 = arith.constant 0 : i32
      %dma_start3A_174 = arith.constant 0 : i32
      %dma_start3A_175 = tpu.memref_slice %arg2[%dma_start3A_173, %dma_start3A_174] : memref<1015808x64xf32, #tpu.memory_space<hbm>> -> memref<1015808x64xf32, #tpu.memory_space<hbm>>
      tpu.enqueue_indirect_dma source(%dma_start3A_175 : memref<1015808x64xf32, #tpu.memory_space<hbm>>) target(%dma_start3A_169 : memref<128x64xf32, #tpu.memory_space<vmem>>) offsets(%dma_start3A_172 : memref<128xi32, #tpu.memory_space<vmem>>) semaphore(%arg7 : memref<!tpu.dma_semaphore, #tpu.memory_space<semaphore_mem>>)
      %dma_start3A_176 = arith.constant 1 : i32
      %dma_start3A_177 = arith.constant 0 : i32
      %dma_start3A_178 = arith.constant 128 : i32
      %dma_start3A_179 = arith.constant 0 : i32
      %dma_start3A_180 = tpu.memref_slice %arg6[%dma_start3A_177, %dma_start3A_178, %dma_start3A_179] : memref<2x512x64xf32, #tpu.memory_space<vmem>> -> memref<1x128x64xf32, #tpu.memory_space<vmem>>
      %dma_start3A_181 = tpu.memref_squeeze %dma_start3A_180 : memref<1x128x64xf32, #tpu.memory_space<vmem>> -> memref<128x64xf32, #tpu.memory_space<vmem>>
      %dma_start3A_182 = arith.constant 0 : i32
      %dma_start3A_183 = tpu.memref_slice %arg5[%add3A_163, %dma_start3A_176, %dma_start3A_182] : memref<50x4x128xi32, #tpu.memory_space<vmem>> -> memref<1x1x128xi32, #tpu.memory_space<vmem>>
      %dma_start3A_184 = tpu.memref_squeeze %dma_start3A_183 : memref<1x1x128xi32, #tpu.memory_space<vmem>> -> memref<128xi32, #tpu.memory_space<vmem>>
      %dma_start3A_185 = arith.constant 0 : i32
      %dma_start3A_186 = arith.constant 0 : i32
      %dma_start3A_187 = tpu.memref_slice %arg2[%dma_start3A_185, %dma_start3A_186] : memref<1015808x64xf32, #tpu.memory_space<hbm>> -> memref<1015808x64xf32, #tpu.memory_space<hbm>>
      tpu.enqueue_indirect_dma source(%dma_start3A_187 : memref<1015808x64xf32, #tpu.memory_space<hbm>>) target(%dma_start3A_181 : memref<128x64xf32, #tpu.memory_space<vmem>>) offsets(%dma_start3A_184 : memref<128xi32, #tpu.memory_space<vmem>>) semaphore(%arg7 : memref<!tpu.dma_semaphore, #tpu.memory_space<semaphore_mem>>)
      %dma_start3A_188 = arith.constant 2 : i32
      %dma_start3A_189 = arith.constant 0 : i32
      %dma_start3A_190 = arith.constant 256 : i32
      %dma_start3A_191 = arith.constant 0 : i32
      %dma_start3A_192 = tpu.memref_slice %arg6[%dma_start3A_189, %dma_start3A_190, %dma_start3A_191] : memref<2x512x64xf32, #tpu.memory_space<vmem>> -> memref<1x128x64xf32, #tpu.memory_space<vmem>>
      %dma_start3A_193 = tpu.memref_squeeze %dma_start3A_192 : memref<1x128x64xf32, #tpu.memory_space<vmem>> -> memref<128x64xf32, #tpu.memory_space<vmem>>
      %dma_start3A_194 = arith.constant 0 : i32
      %dma_start3A_195 = tpu.memref_slice %arg5[%add3A_163, %dma_start3A_188, %dma_start3A_194] : memref<50x4x128xi32, #tpu.memory_space<vmem>> -> memref<1x1x128xi32, #tpu.memory_space<vmem>>
      %dma_start3A_196 = tpu.memref_squeeze %dma_start3A_195 : memref<1x1x128xi32, #tpu.memory_space<vmem>> -> memref<128xi32, #tpu.memory_space<vmem>>
      %dma_start3A_197 = arith.constant 0 : i32
      %dma_start3A_198 = arith.constant 0 : i32
      %dma_start3A_199 = tpu.memref_slice %arg2[%dma_start3A_197, %dma_start3A_198] : memref<1015808x64xf32, #tpu.memory_space<hbm>> -> memref<1015808x64xf32, #tpu.memory_space<hbm>>
      tpu.enqueue_indirect_dma source(%dma_start3A_199 : memref<1015808x64xf32, #tpu.memory_space<hbm>>) target(%dma_start3A_193 : memref<128x64xf32, #tpu.memory_space<vmem>>) offsets(%dma_start3A_196 : memref<128xi32, #tpu.memory_space<vmem>>) semaphore(%arg7 : memref<!tpu.dma_semaphore, #tpu.memory_space<semaphore_mem>>)
      %dma_start3A_200 = arith.constant 3 : i32
      %dma_start3A_201 = arith.constant 0 : i32
      %dma_start3A_202 = arith.constant 384 : i32
      %dma_start3A_203 = arith.constant 0 : i32
      %dma_start3A_204 = tpu.memref_slice %arg6[%dma_start3A_201, %dma_start3A_202, %dma_start3A_203] : memref<2x512x64xf32, #tpu.memory_space<vmem>> -> memref<1x128x64xf32, #tpu.memory_space<vmem>>
      %dma_start3A_205 = tpu.memref_squeeze %dma_start3A_204 : memref<1x128x64xf32, #tpu.memory_space<vmem>> -> memref<128x64xf32, #tpu.memory_space<vmem>>
      %dma_start3A_206 = arith.constant 0 : i32
      %dma_start3A_207 = tpu.memref_slice %arg5[%add3A_163, %dma_start3A_200, %dma_start3A_206] : memref<50x4x128xi32, #tpu.memory_space<vmem>> -> memref<1x1x128xi32, #tpu.memory_space<vmem>>
      %dma_start3A_208 = tpu.memref_squeeze %dma_start3A_207 : memref<1x1x128xi32, #tpu.memory_space<vmem>> -> memref<128xi32, #tpu.memory_space<vmem>>
      %dma_start3A_209 = arith.constant 0 : i32
      %dma_start3A_210 = arith.constant 0 : i32
      %dma_start3A_211 = tpu.memref_slice %arg2[%dma_start3A_209, %dma_start3A_210] : memref<1015808x64xf32, #tpu.memory_space<hbm>> -> memref<1015808x64xf32, #tpu.memory_space<hbm>>
      tpu.enqueue_indirect_dma source(%dma_start3A_211 : memref<1015808x64xf32, #tpu.memory_space<hbm>>) target(%dma_start3A_205 : memref<128x64xf32, #tpu.memory_space<vmem>>) offsets(%dma_start3A_208 : memref<128xi32, #tpu.memory_space<vmem>>) semaphore(%arg7 : memref<!tpu.dma_semaphore, #tpu.memory_space<semaphore_mem>>)
      %mul3A_212 = arith.constant 2 : i32
      %mul3A_213 = arith.muli %mul3A_212, %scan3A_141 : i32
      %add3A_214 = arith.constant 1 : i32
      %add3A_215 = arith.addi %mul3A_213, %add3A_214 : i32
      %dma_wait3A_216 = arith.constant 1 : i32
      %dma_wait3A_217 = arith.constant 0 : i32
      %dma_wait3A_218 = arith.constant 0 : i32
      %dma_wait3A_219 = tpu.memref_slice %arg6[%dma_wait3A_216, %dma_wait3A_217, %dma_wait3A_218] : memref<2x512x64xf32, #tpu.memory_space<vmem>> -> memref<1x512x64xf32, #tpu.memory_space<vmem>>
      %dma_wait3A_220 = tpu.memref_squeeze %dma_wait3A_219 : memref<1x512x64xf32, #tpu.memory_space<vmem>> -> memref<512x64xf32, #tpu.memory_space<vmem>>
      %dma_wait3A_221 = arith.constant 0 : i32
      %dma_wait3A_222 = arith.constant 0 : i32
      %dma_wait3A_223 = tpu.memref_slice %arg2[%dma_wait3A_221, %dma_wait3A_222] : memref<1015808x64xf32, #tpu.memory_space<hbm>> -> memref<512x64xf32, #tpu.memory_space<hbm>>
      %dma_wait3A_224 = arith.constant 0 : i32
      %dma_wait3A_225 = arith.constant 0 : i32
      %dma_wait3A_226 = tpu.memref_slice %arg6[%dma_wait3A_216, %dma_wait3A_224, %dma_wait3A_225] : memref<2x512x64xf32, #tpu.memory_space<vmem>> -> memref<1x512x64xf32, #tpu.memory_space<vmem>>
      %dma_wait3A_227 = tpu.memref_squeeze %dma_wait3A_226 : memref<1x512x64xf32, #tpu.memory_space<vmem>> -> memref<512x64xf32, #tpu.memory_space<vmem>>
      %dma_wait3A_228 = arith.constant 0 : i32
      %dma_wait3A_229 = arith.constant 0 : i32
      %dma_wait3A_230 = tpu.memref_slice %arg2[%dma_wait3A_228, %dma_wait3A_229] : memref<1015808x64xf32, #tpu.memory_space<hbm>> -> memref<512x64xf32, #tpu.memory_space<hbm>>
      tpu.wait_dma2 semaphore(%arg8 : memref<!tpu.dma_semaphore, #tpu.memory_space<semaphore_mem>>) src(%dma_wait3A_230 : memref<512x64xf32, #tpu.memory_space<hbm>>) dst(%dma_wait3A_227 : memref<512x64xf32, #tpu.memory_space<vmem>>)
      %run_scoped3A_231 = arith.constant 1 : i32
      "tpu.region"() ({
        %run_scoped3A_282 = tpu.sem_alloc : memref<!tpu.dma_semaphore, #tpu.memory_space<semaphore_mem>>
        %dma_start3A_283 = arith.constant 0 : i32
        %dma_start3A_284 = arith.constant 0 : i32
        %dma_start3A_285 = tpu.memref_slice %arg6[%run_scoped3A_231, %dma_start3A_283, %dma_start3A_284] : memref<2x512x64xf32, #tpu.memory_space<vmem>> -> memref<1x512x64xf32, #tpu.memory_space<vmem>>
        %dma_start3A_286 = tpu.memref_squeeze %dma_start3A_285 : memref<1x512x64xf32, #tpu.memory_space<vmem>> -> memref<512x64xf32, #tpu.memory_space<vmem>>
        %dma_start3A_287 = arith.constant 0 : i32
        %dma_start3A_288 = arith.constant 0 : i32
        %dma_start3A_289 = tpu.memref_slice %arg4[%add3A, %add3A_215, %dma_start3A_287, %dma_start3A_288] : memref<32x50x512x64xf32, #tpu.memory_space<hbm>> -> memref<1x1x512x64xf32, #tpu.memory_space<hbm>>
        %dma_start3A_290 = tpu.memref_squeeze %dma_start3A_289 : memref<1x1x512x64xf32, #tpu.memory_space<hbm>> -> memref<512x64xf32, #tpu.memory_space<hbm>>
        %dma_start3A_291 = arith.constant 0 : i32
        %dma_start3A_292 = arith.constant 0 : i32
        %dma_start3A_293 = tpu.memref_slice %arg4[%add3A, %add3A_215, %dma_start3A_291, %dma_start3A_292] : memref<32x50x512x64xf32, #tpu.memory_space<hbm>> -> memref<1x1x512x64xf32, #tpu.memory_space<hbm>>
        %dma_start3A_294 = tpu.memref_squeeze %dma_start3A_293 : memref<1x1x512x64xf32, #tpu.memory_space<hbm>> -> memref<512x64xf32, #tpu.memory_space<hbm>>
        %dma_start3A_295 = arith.constant 0 : i32
        %dma_start3A_296 = arith.constant 0 : i32
        %dma_start3A_297 = tpu.memref_slice %arg6[%run_scoped3A_231, %dma_start3A_295, %dma_start3A_296] : memref<2x512x64xf32, #tpu.memory_space<vmem>> -> memref<1x512x64xf32, #tpu.memory_space<vmem>>
        %dma_start3A_298 = tpu.memref_squeeze %dma_start3A_297 : memref<1x512x64xf32, #tpu.memory_space<vmem>> -> memref<512x64xf32, #tpu.memory_space<vmem>>
        tpu.enqueue_dma source(%dma_start3A_298 : memref<512x64xf32, #tpu.memory_space<vmem>>) target(%dma_start3A_294 : memref<512x64xf32, #tpu.memory_space<hbm>>) target_semaphore(%run_scoped3A_282 : memref<!tpu.dma_semaphore, #tpu.memory_space<semaphore_mem>>)
        %dma_wait3A_299 = arith.constant 0 : i32
        %dma_wait3A_300 = arith.constant 0 : i32
        %dma_wait3A_301 = tpu.memref_slice %arg6[%run_scoped3A_231, %dma_wait3A_299, %dma_wait3A_300] : memref<2x512x64xf32, #tpu.memory_space<vmem>> -> memref<1x512x64xf32, #tpu.memory_space<vmem>>
        %dma_wait3A_302 = tpu.memref_squeeze %dma_wait3A_301 : memref<1x512x64xf32, #tpu.memory_space<vmem>> -> memref<512x64xf32, #tpu.memory_space<vmem>>
        %dma_wait3A_303 = arith.constant 0 : i32
        %dma_wait3A_304 = arith.constant 0 : i32
        %dma_wait3A_305 = tpu.memref_slice %arg4[%add3A, %add3A_215, %dma_wait3A_303, %dma_wait3A_304] : memref<32x50x512x64xf32, #tpu.memory_space<hbm>> -> memref<1x1x512x64xf32, #tpu.memory_space<hbm>>
        %dma_wait3A_306 = tpu.memref_squeeze %dma_wait3A_305 : memref<1x1x512x64xf32, #tpu.memory_space<hbm>> -> memref<512x64xf32, #tpu.memory_space<hbm>>
        %dma_wait3A_307 = arith.constant 0 : i32
        %dma_wait3A_308 = arith.constant 0 : i32
        %dma_wait3A_309 = tpu.memref_slice %arg4[%add3A, %add3A_215, %dma_wait3A_307, %dma_wait3A_308] : memref<32x50x512x64xf32, #tpu.memory_space<hbm>> -> memref<1x1x512x64xf32, #tpu.memory_space<hbm>>
        %dma_wait3A_310 = tpu.memref_squeeze %dma_wait3A_309 : memref<1x1x512x64xf32, #tpu.memory_space<hbm>> -> memref<512x64xf32, #tpu.memory_space<hbm>>
        %dma_wait3A_311 = arith.constant 0 : i32
        %dma_wait3A_312 = arith.constant 0 : i32
        %dma_wait3A_313 = tpu.memref_slice %arg6[%run_scoped3A_231, %dma_wait3A_311, %dma_wait3A_312] : memref<2x512x64xf32, #tpu.memory_space<vmem>> -> memref<1x512x64xf32, #tpu.memory_space<vmem>>
        %dma_wait3A_314 = tpu.memref_squeeze %dma_wait3A_313 : memref<1x512x64xf32, #tpu.memory_space<vmem>> -> memref<512x64xf32, #tpu.memory_space<vmem>>
        tpu.wait_dma2 semaphore(%run_scoped3A_282 : memref<!tpu.dma_semaphore, #tpu.memory_space<semaphore_mem>>) src(%dma_wait3A_314 : memref<512x64xf32, #tpu.memory_space<vmem>>) dst(%dma_wait3A_310 : memref<512x64xf32, #tpu.memory_space<hbm>>)
        tpu.yield
      }) : () -> ()
      %add3A_232 = arith.constant 2 : i32
      %add3A_233 = arith.addi %add3A_215, %add3A_232 : i32
      %dma_start3A_234 = arith.constant 0 : i32
      %dma_start3A_235 = arith.constant 1 : i32
      %dma_start3A_236 = arith.constant 0 : i32
      %dma_start3A_237 = arith.constant 0 : i32
      %dma_start3A_238 = tpu.memref_slice %arg6[%dma_start3A_235, %dma_start3A_236, %dma_start3A_237] : memref<2x512x64xf32, #tpu.memory_space<vmem>> -> memref<1x128x64xf32, #tpu.memory_space<vmem>>
      %dma_start3A_239 = tpu.memref_squeeze %dma_start3A_238 : memref<1x128x64xf32, #tpu.memory_space<vmem>> -> memref<128x64xf32, #tpu.memory_space<vmem>>
      %dma_start3A_240 = arith.constant 0 : i32
      %dma_start3A_241 = tpu.memref_slice %arg5[%add3A_233, %dma_start3A_234, %dma_start3A_240] : memref<50x4x128xi32, #tpu.memory_space<vmem>> -> memref<1x1x128xi32, #tpu.memory_space<vmem>>
      %dma_start3A_242 = tpu.memref_squeeze %dma_start3A_241 : memref<1x1x128xi32, #tpu.memory_space<vmem>> -> memref<128xi32, #tpu.memory_space<vmem>>
      %dma_start3A_243 = arith.constant 0 : i32
      %dma_start3A_244 = arith.constant 0 : i32
      %dma_start3A_245 = tpu.memref_slice %arg2[%dma_start3A_243, %dma_start3A_244] : memref<1015808x64xf32, #tpu.memory_space<hbm>> -> memref<1015808x64xf32, #tpu.memory_space<hbm>>
      tpu.enqueue_indirect_dma source(%dma_start3A_245 : memref<1015808x64xf32, #tpu.memory_space<hbm>>) target(%dma_start3A_239 : memref<128x64xf32, #tpu.memory_space<vmem>>) offsets(%dma_start3A_242 : memref<128xi32, #tpu.memory_space<vmem>>) semaphore(%arg8 : memref<!tpu.dma_semaphore, #tpu.memory_space<semaphore_mem>>)
      %dma_start3A_246 = arith.constant 1 : i32
      %dma_start3A_247 = arith.constant 1 : i32
      %dma_start3A_248 = arith.constant 128 : i32
      %dma_start3A_249 = arith.constant 0 : i32
      %dma_start3A_250 = tpu.memref_slice %arg6[%dma_start3A_247, %dma_start3A_248, %dma_start3A_249] : memref<2x512x64xf32, #tpu.memory_space<vmem>> -> memref<1x128x64xf32, #tpu.memory_space<vmem>>
      %dma_start3A_251 = tpu.memref_squeeze %dma_start3A_250 : memref<1x128x64xf32, #tpu.memory_space<vmem>> -> memref<128x64xf32, #tpu.memory_space<vmem>>
      %dma_start3A_252 = arith.constant 0 : i32
      %dma_start3A_253 = tpu.memref_slice %arg5[%add3A_233, %dma_start3A_246, %dma_start3A_252] : memref<50x4x128xi32, #tpu.memory_space<vmem>> -> memref<1x1x128xi32, #tpu.memory_space<vmem>>
      %dma_start3A_254 = tpu.memref_squeeze %dma_start3A_253 : memref<1x1x128xi32, #tpu.memory_space<vmem>> -> memref<128xi32, #tpu.memory_space<vmem>>
      %dma_start3A_255 = arith.constant 0 : i32
      %dma_start3A_256 = arith.constant 0 : i32
      %dma_start3A_257 = tpu.memref_slice %arg2[%dma_start3A_255, %dma_start3A_256] : memref<1015808x64xf32, #tpu.memory_space<hbm>> -> memref<1015808x64xf32, #tpu.memory_space<hbm>>
      tpu.enqueue_indirect_dma source(%dma_start3A_257 : memref<1015808x64xf32, #tpu.memory_space<hbm>>) target(%dma_start3A_251 : memref<128x64xf32, #tpu.memory_space<vmem>>) offsets(%dma_start3A_254 : memref<128xi32, #tpu.memory_space<vmem>>) semaphore(%arg8 : memref<!tpu.dma_semaphore, #tpu.memory_space<semaphore_mem>>)
      %dma_start3A_258 = arith.constant 2 : i32
      %dma_start3A_259 = arith.constant 1 : i32
      %dma_start3A_260 = arith.constant 256 : i32
      %dma_start3A_261 = arith.constant 0 : i32
      %dma_start3A_262 = tpu.memref_slice %arg6[%dma_start3A_259, %dma_start3A_260, %dma_start3A_261] : memref<2x512x64xf32, #tpu.memory_space<vmem>> -> memref<1x128x64xf32, #tpu.memory_space<vmem>>
      %dma_start3A_263 = tpu.memref_squeeze %dma_start3A_262 : memref<1x128x64xf32, #tpu.memory_space<vmem>> -> memref<128x64xf32, #tpu.memory_space<vmem>>
      %dma_start3A_264 = arith.constant 0 : i32
      %dma_start3A_265 = tpu.memref_slice %arg5[%add3A_233, %dma_start3A_258, %dma_start3A_264] : memref<50x4x128xi32, #tpu.memory_space<vmem>> -> memref<1x1x128xi32, #tpu.memory_space<vmem>>
      %dma_start3A_266 = tpu.memref_squeeze %dma_start3A_265 : memref<1x1x128xi32, #tpu.memory_space<vmem>> -> memref<128xi32, #tpu.memory_space<vmem>>
      %dma_start3A_267 = arith.constant 0 : i32
      %dma_start3A_268 = arith.constant 0 : i32
      %dma_start3A_269 = tpu.memref_slice %arg2[%dma_start3A_267, %dma_start3A_268] : memref<1015808x64xf32, #tpu.memory_space<hbm>> -> memref<1015808x64xf32, #tpu.memory_space<hbm>>
      tpu.enqueue_indirect_dma source(%dma_start3A_269 : memref<1015808x64xf32, #tpu.memory_space<hbm>>) target(%dma_start3A_263 : memref<128x64xf32, #tpu.memory_space<vmem>>) offsets(%dma_start3A_266 : memref<128xi32, #tpu.memory_space<vmem>>) semaphore(%arg8 : memref<!tpu.dma_semaphore, #tpu.memory_space<semaphore_mem>>)
      %dma_start3A_270 = arith.constant 3 : i32
      %dma_start3A_271 = arith.constant 1 : i32
      %dma_start3A_272 = arith.constant 384 : i32
      %dma_start3A_273 = arith.constant 0 : i32
      %dma_start3A_274 = tpu.memref_slice %arg6[%dma_start3A_271, %dma_start3A_272, %dma_start3A_273] : memref<2x512x64xf32, #tpu.memory_space<vmem>> -> memref<1x128x64xf32, #tpu.memory_space<vmem>>
      %dma_start3A_275 = tpu.memref_squeeze %dma_start3A_274 : memref<1x128x64xf32, #tpu.memory_space<vmem>> -> memref<128x64xf32, #tpu.memory_space<vmem>>
      %dma_start3A_276 = arith.constant 0 : i32
      %dma_start3A_277 = tpu.memref_slice %arg5[%add3A_233, %dma_start3A_270, %dma_start3A_276] : memref<50x4x128xi32, #tpu.memory_space<vmem>> -> memref<1x1x128xi32, #tpu.memory_space<vmem>>
      %dma_start3A_278 = tpu.memref_squeeze %dma_start3A_277 : memref<1x1x128xi32, #tpu.memory_space<vmem>> -> memref<128xi32, #tpu.memory_space<vmem>>
      %dma_start3A_279 = arith.constant 0 : i32
      %dma_start3A_280 = arith.constant 0 : i32
      %dma_start3A_281 = tpu.memref_slice %arg2[%dma_start3A_279, %dma_start3A_280] : memref<1015808x64xf32, #tpu.memory_space<hbm>> -> memref<1015808x64xf32, #tpu.memory_space<hbm>>
      tpu.enqueue_indirect_dma source(%dma_start3A_281 : memref<1015808x64xf32, #tpu.memory_space<hbm>>) target(%dma_start3A_275 : memref<128x64xf32, #tpu.memory_space<vmem>>) offsets(%dma_start3A_278 : memref<128xi32, #tpu.memory_space<vmem>>) semaphore(%arg8 : memref<!tpu.dma_semaphore, #tpu.memory_space<semaphore_mem>>)
    }
    %scan3A_108 = arith.constant 24 : i32
    %dma_wait3A = arith.constant 0 : i32
    %dma_wait3A_109 = arith.constant 0 : i32
    %dma_wait3A_110 = arith.constant 0 : i32
    %dma_wait3A_111 = tpu.memref_slice %arg6[%dma_wait3A, %dma_wait3A_109, %dma_wait3A_110] : memref<2x512x64xf32, #tpu.memory_space<vmem>> -> memref<1x512x64xf32, #tpu.memory_space<vmem>>
    %dma_wait3A_112 = tpu.memref_squeeze %dma_wait3A_111 : memref<1x512x64xf32, #tpu.memory_space<vmem>> -> memref<512x64xf32, #tpu.memory_space<vmem>>
    %dma_wait3A_113 = arith.constant 0 : i32
    %dma_wait3A_114 = arith.constant 0 : i32
    %dma_wait3A_115 = tpu.memref_slice %arg2[%dma_wait3A_113, %dma_wait3A_114] : memref<1015808x64xf32, #tpu.memory_space<hbm>> -> memref<512x64xf32, #tpu.memory_space<hbm>>
    %dma_wait3A_116 = arith.constant 0 : i32
    %dma_wait3A_117 = arith.constant 0 : i32
    %dma_wait3A_118 = tpu.memref_slice %arg6[%dma_wait3A, %dma_wait3A_116, %dma_wait3A_117] : memref<2x512x64xf32, #tpu.memory_space<vmem>> -> memref<1x512x64xf32, #tpu.memory_space<vmem>>
    %dma_wait3A_119 = tpu.memref_squeeze %dma_wait3A_118 : memref<1x512x64xf32, #tpu.memory_space<vmem>> -> memref<512x64xf32, #tpu.memory_space<vmem>>
    %dma_wait3A_120 = arith.constant 0 : i32
    %dma_wait3A_121 = arith.constant 0 : i32
    %dma_wait3A_122 = tpu.memref_slice %arg2[%dma_wait3A_120, %dma_wait3A_121] : memref<1015808x64xf32, #tpu.memory_space<hbm>> -> memref<512x64xf32, #tpu.memory_space<hbm>>
    tpu.wait_dma2 semaphore(%arg7 : memref<!tpu.dma_semaphore, #tpu.memory_space<semaphore_mem>>) src(%dma_wait3A_122 : memref<512x64xf32, #tpu.memory_space<hbm>>) dst(%dma_wait3A_119 : memref<512x64xf32, #tpu.memory_space<vmem>>)
    %run_scoped3A = arith.constant 0 : i32
    %run_scoped3A_123 = arith.constant 48 : i32
    "tpu.region"() ({
      %run_scoped3A_141 = tpu.sem_alloc : memref<!tpu.dma_semaphore, #tpu.memory_space<semaphore_mem>>
      %dma_start3A_142 = arith.constant 0 : i32
      %dma_start3A_143 = arith.constant 0 : i32
      %dma_start3A_144 = tpu.memref_slice %arg6[%run_scoped3A, %dma_start3A_142, %dma_start3A_143] : memref<2x512x64xf32, #tpu.memory_space<vmem>> -> memref<1x512x64xf32, #tpu.memory_space<vmem>>
      %dma_start3A_145 = tpu.memref_squeeze %dma_start3A_144 : memref<1x512x64xf32, #tpu.memory_space<vmem>> -> memref<512x64xf32, #tpu.memory_space<vmem>>
      %dma_start3A_146 = arith.constant 0 : i32
      %dma_start3A_147 = arith.constant 0 : i32
      %dma_start3A_148 = tpu.memref_slice %arg4[%add3A, %run_scoped3A_123, %dma_start3A_146, %dma_start3A_147] : memref<32x50x512x64xf32, #tpu.memory_space<hbm>> -> memref<1x1x512x64xf32, #tpu.memory_space<hbm>>
      %dma_start3A_149 = tpu.memref_squeeze %dma_start3A_148 : memref<1x1x512x64xf32, #tpu.memory_space<hbm>> -> memref<512x64xf32, #tpu.memory_space<hbm>>
      %dma_start3A_150 = arith.constant 0 : i32
      %dma_start3A_151 = arith.constant 0 : i32
      %dma_start3A_152 = tpu.memref_slice %arg4[%add3A, %run_scoped3A_123, %dma_start3A_150, %dma_start3A_151] : memref<32x50x512x64xf32, #tpu.memory_space<hbm>> -> memref<1x1x512x64xf32, #tpu.memory_space<hbm>>
      %dma_start3A_153 = tpu.memref_squeeze %dma_start3A_152 : memref<1x1x512x64xf32, #tpu.memory_space<hbm>> -> memref<512x64xf32, #tpu.memory_space<hbm>>
      %dma_start3A_154 = arith.constant 0 : i32
      %dma_start3A_155 = arith.constant 0 : i32
      %dma_start3A_156 = tpu.memref_slice %arg6[%run_scoped3A, %dma_start3A_154, %dma_start3A_155] : memref<2x512x64xf32, #tpu.memory_space<vmem>> -> memref<1x512x64xf32, #tpu.memory_space<vmem>>
      %dma_start3A_157 = tpu.memref_squeeze %dma_start3A_156 : memref<1x512x64xf32, #tpu.memory_space<vmem>> -> memref<512x64xf32, #tpu.memory_space<vmem>>
      tpu.enqueue_dma source(%dma_start3A_157 : memref<512x64xf32, #tpu.memory_space<vmem>>) target(%dma_start3A_153 : memref<512x64xf32, #tpu.memory_space<hbm>>) target_semaphore(%run_scoped3A_141 : memref<!tpu.dma_semaphore, #tpu.memory_space<semaphore_mem>>)
      %dma_wait3A_158 = arith.constant 0 : i32
      %dma_wait3A_159 = arith.constant 0 : i32
      %dma_wait3A_160 = tpu.memref_slice %arg6[%run_scoped3A, %dma_wait3A_158, %dma_wait3A_159] : memref<2x512x64xf32, #tpu.memory_space<vmem>> -> memref<1x512x64xf32, #tpu.memory_space<vmem>>
      %dma_wait3A_161 = tpu.memref_squeeze %dma_wait3A_160 : memref<1x512x64xf32, #tpu.memory_space<vmem>> -> memref<512x64xf32, #tpu.memory_space<vmem>>
      %dma_wait3A_162 = arith.constant 0 : i32
      %dma_wait3A_163 = arith.constant 0 : i32
      %dma_wait3A_164 = tpu.memref_slice %arg4[%add3A, %run_scoped3A_123, %dma_wait3A_162, %dma_wait3A_163] : memref<32x50x512x64xf32, #tpu.memory_space<hbm>> -> memref<1x1x512x64xf32, #tpu.memory_space<hbm>>
      %dma_wait3A_165 = tpu.memref_squeeze %dma_wait3A_164 : memref<1x1x512x64xf32, #tpu.memory_space<hbm>> -> memref<512x64xf32, #tpu.memory_space<hbm>>
      %dma_wait3A_166 = arith.constant 0 : i32
      %dma_wait3A_167 = arith.constant 0 : i32
      %dma_wait3A_168 = tpu.memref_slice %arg4[%add3A, %run_scoped3A_123, %dma_wait3A_166, %dma_wait3A_167] : memref<32x50x512x64xf32, #tpu.memory_space<hbm>> -> memref<1x1x512x64xf32, #tpu.memory_space<hbm>>
      %dma_wait3A_169 = tpu.memref_squeeze %dma_wait3A_168 : memref<1x1x512x64xf32, #tpu.memory_space<hbm>> -> memref<512x64xf32, #tpu.memory_space<hbm>>
      %dma_wait3A_170 = arith.constant 0 : i32
      %dma_wait3A_171 = arith.constant 0 : i32
      %dma_wait3A_172 = tpu.memref_slice %arg6[%run_scoped3A, %dma_wait3A_170, %dma_wait3A_171] : memref<2x512x64xf32, #tpu.memory_space<vmem>> -> memref<1x512x64xf32, #tpu.memory_space<vmem>>
      %dma_wait3A_173 = tpu.memref_squeeze %dma_wait3A_172 : memref<1x512x64xf32, #tpu.memory_space<vmem>> -> memref<512x64xf32, #tpu.memory_space<vmem>>
      tpu.wait_dma2 semaphore(%run_scoped3A_141 : memref<!tpu.dma_semaphore, #tpu.memory_space<semaphore_mem>>) src(%dma_wait3A_173 : memref<512x64xf32, #tpu.memory_space<vmem>>) dst(%dma_wait3A_169 : memref<512x64xf32, #tpu.memory_space<hbm>>)
      tpu.yield
    }) : () -> ()
    %dma_wait3A_124 = arith.constant 1 : i32
    %dma_wait3A_125 = arith.constant 0 : i32
    %dma_wait3A_126 = arith.constant 0 : i32
    %dma_wait3A_127 = tpu.memref_slice %arg6[%dma_wait3A_124, %dma_wait3A_125, %dma_wait3A_126] : memref<2x512x64xf32, #tpu.memory_space<vmem>> -> memref<1x512x64xf32, #tpu.memory_space<vmem>>
    %dma_wait3A_128 = tpu.memref_squeeze %dma_wait3A_127 : memref<1x512x64xf32, #tpu.memory_space<vmem>> -> memref<512x64xf32, #tpu.memory_space<vmem>>
    %dma_wait3A_129 = arith.constant 0 : i32
    %dma_wait3A_130 = arith.constant 0 : i32
    %dma_wait3A_131 = tpu.memref_slice %arg2[%dma_wait3A_129, %dma_wait3A_130] : memref<1015808x64xf32, #tpu.memory_space<hbm>> -> memref<512x64xf32, #tpu.memory_space<hbm>>
    %dma_wait3A_132 = arith.constant 0 : i32
    %dma_wait3A_133 = arith.constant 0 : i32
    %dma_wait3A_134 = tpu.memref_slice %arg6[%dma_wait3A_124, %dma_wait3A_132, %dma_wait3A_133] : memref<2x512x64xf32, #tpu.memory_space<vmem>> -> memref<1x512x64xf32, #tpu.memory_space<vmem>>
    %dma_wait3A_135 = tpu.memref_squeeze %dma_wait3A_134 : memref<1x512x64xf32, #tpu.memory_space<vmem>> -> memref<512x64xf32, #tpu.memory_space<vmem>>
    %dma_wait3A_136 = arith.constant 0 : i32
    %dma_wait3A_137 = arith.constant 0 : i32
    %dma_wait3A_138 = tpu.memref_slice %arg2[%dma_wait3A_136, %dma_wait3A_137] : memref<1015808x64xf32, #tpu.memory_space<hbm>> -> memref<512x64xf32, #tpu.memory_space<hbm>>
    tpu.wait_dma2 semaphore(%arg8 : memref<!tpu.dma_semaphore, #tpu.memory_space<semaphore_mem>>) src(%dma_wait3A_138 : memref<512x64xf32, #tpu.memory_space<hbm>>) dst(%dma_wait3A_135 : memref<512x64xf32, #tpu.memory_space<vmem>>)
    %run_scoped3A_139 = arith.constant 1 : i32
    %run_scoped3A_140 = arith.constant 49 : i32
    "tpu.region"() ({
      %run_scoped3A_141 = tpu.sem_alloc : memref<!tpu.dma_semaphore, #tpu.memory_space<semaphore_mem>>
      %dma_start3A_142 = arith.constant 0 : i32
      %dma_start3A_143 = arith.constant 0 : i32
      %dma_start3A_144 = tpu.memref_slice %arg6[%run_scoped3A_139, %dma_start3A_142, %dma_start3A_143] : memref<2x512x64xf32, #tpu.memory_space<vmem>> -> memref<1x512x64xf32, #tpu.memory_space<vmem>>
      %dma_start3A_145 = tpu.memref_squeeze %dma_start3A_144 : memref<1x512x64xf32, #tpu.memory_space<vmem>> -> memref<512x64xf32, #tpu.memory_space<vmem>>
      %dma_start3A_146 = arith.constant 0 : i32
      %dma_start3A_147 = arith.constant 0 : i32
      %dma_start3A_148 = tpu.memref_slice %arg4[%add3A, %run_scoped3A_140, %dma_start3A_146, %dma_start3A_147] : memref<32x50x512x64xf32, #tpu.memory_space<hbm>> -> memref<1x1x512x64xf32, #tpu.memory_space<hbm>>
      %dma_start3A_149 = tpu.memref_squeeze %dma_start3A_148 : memref<1x1x512x64xf32, #tpu.memory_space<hbm>> -> memref<512x64xf32, #tpu.memory_space<hbm>>
      %dma_start3A_150 = arith.constant 0 : i32
      %dma_start3A_151 = arith.constant 0 : i32
      %dma_start3A_152 = tpu.memref_slice %arg4[%add3A, %run_scoped3A_140, %dma_start3A_150, %dma_start3A_151] : memref<32x50x512x64xf32, #tpu.memory_space<hbm>> -> memref<1x1x512x64xf32, #tpu.memory_space<hbm>>
      %dma_start3A_153 = tpu.memref_squeeze %dma_start3A_152 : memref<1x1x512x64xf32, #tpu.memory_space<hbm>> -> memref<512x64xf32, #tpu.memory_space<hbm>>
      %dma_start3A_154 = arith.constant 0 : i32
      %dma_start3A_155 = arith.constant 0 : i32
      %dma_start3A_156 = tpu.memref_slice %arg6[%run_scoped3A_139, %dma_start3A_154, %dma_start3A_155] : memref<2x512x64xf32, #tpu.memory_space<vmem>> -> memref<1x512x64xf32, #tpu.memory_space<vmem>>
      %dma_start3A_157 = tpu.memref_squeeze %dma_start3A_156 : memref<1x512x64xf32, #tpu.memory_space<vmem>> -> memref<512x64xf32, #tpu.memory_space<vmem>>
      tpu.enqueue_dma source(%dma_start3A_157 : memref<512x64xf32, #tpu.memory_space<vmem>>) target(%dma_start3A_153 : memref<512x64xf32, #tpu.memory_space<hbm>>) target_semaphore(%run_scoped3A_141 : memref<!tpu.dma_semaphore, #tpu.memory_space<semaphore_mem>>)
      %dma_wait3A_158 = arith.constant 0 : i32
      %dma_wait3A_159 = arith.constant 0 : i32
      %dma_wait3A_160 = tpu.memref_slice %arg6[%run_scoped3A_139, %dma_wait3A_158, %dma_wait3A_159] : memref<2x512x64xf32, #tpu.memory_space<vmem>> -> memref<1x512x64xf32, #tpu.memory_space<vmem>>
      %dma_wait3A_161 = tpu.memref_squeeze %dma_wait3A_160 : memref<1x512x64xf32, #tpu.memory_space<vmem>> -> memref<512x64xf32, #tpu.memory_space<vmem>>
      %dma_wait3A_162 = arith.constant 0 : i32
      %dma_wait3A_163 = arith.constant 0 : i32
      %dma_wait3A_164 = tpu.memref_slice %arg4[%add3A, %run_scoped3A_140, %dma_wait3A_162, %dma_wait3A_163] : memref<32x50x512x64xf32, #tpu.memory_space<hbm>> -> memref<1x1x512x64xf32, #tpu.memory_space<hbm>>
      %dma_wait3A_165 = tpu.memref_squeeze %dma_wait3A_164 : memref<1x1x512x64xf32, #tpu.memory_space<hbm>> -> memref<512x64xf32, #tpu.memory_space<hbm>>
      %dma_wait3A_166 = arith.constant 0 : i32
      %dma_wait3A_167 = arith.constant 0 : i32
      %dma_wait3A_168 = tpu.memref_slice %arg4[%add3A, %run_scoped3A_140, %dma_wait3A_166, %dma_wait3A_167] : memref<32x50x512x64xf32, #tpu.memory_space<hbm>> -> memref<1x1x512x64xf32, #tpu.memory_space<hbm>>
      %dma_wait3A_169 = tpu.memref_squeeze %dma_wait3A_168 : memref<1x1x512x64xf32, #tpu.memory_space<hbm>> -> memref<512x64xf32, #tpu.memory_space<hbm>>
      %dma_wait3A_170 = arith.constant 0 : i32
      %dma_wait3A_171 = arith.constant 0 : i32
      %dma_wait3A_172 = tpu.memref_slice %arg6[%run_scoped3A_139, %dma_wait3A_170, %dma_wait3A_171] : memref<2x512x64xf32, #tpu.memory_space<vmem>> -> memref<1x512x64xf32, #tpu.memory_space<vmem>>
      %dma_wait3A_173 = tpu.memref_squeeze %dma_wait3A_172 : memref<1x512x64xf32, #tpu.memory_space<vmem>> -> memref<512x64xf32, #tpu.memory_space<vmem>>
      tpu.wait_dma2 semaphore(%run_scoped3A_141 : memref<!tpu.dma_semaphore, #tpu.memory_space<semaphore_mem>>) src(%dma_wait3A_173 : memref<512x64xf32, #tpu.memory_space<vmem>>) dst(%dma_wait3A_169 : memref<512x64xf32, #tpu.memory_space<hbm>>)
      tpu.yield
    }) : () -> ()
    return
  }
}

module attributes {stable_mosaic.version = 14 : i64} {
  func.func @_project_body(%arg0: i32, %arg1: memref<64x8192xf32, #tpu.memory_space<vmem>>, %arg2: memref<64x8192xf32, #tpu.memory_space<vmem>>, %arg3: memref<64x64xf32, #tpu.memory_space<vmem>>, %arg4: memref<1x128xf32, #tpu.memory_space<vmem>>, %arg5: memref<8192x128xf32, #tpu.memory_space<vmem>>) attributes {dimension_semantics = [#tpu.dimension_semantics<arbitrary>], iteration_bounds = array<i64: 62>, scalar_prefetch = 0 : i64, scratch_operands = 0 : i64, tpu.core_type = #tpu.core_type<tc>, window_params = [{transform_indices = @transform_0, window_bounds = array<i64: 64, 8192>}, {transform_indices = @transform_1, window_bounds = array<i64: 64, 8192>}, {pipeline_mode = #tpu.pipeline_mode<synchronous>, transform_indices = @transform_2, window_bounds = array<i64: 64, 64>}, {pipeline_mode = #tpu.pipeline_mode<synchronous>, transform_indices = @transform_3, window_bounds = array<i64: 1, 128>}, {transform_indices = @transform_4, window_bounds = array<i64: 8192, 128>}]} {
    %get3A = arith.constant 0 : index
    %get3A_0 = arith.constant 0 : index
    %get3A_1 = vector.load %arg3[%get3A, %get3A_0] : memref<64x64xf32, #tpu.memory_space<vmem>>, vector<64x64xf32>
    %get3A_2 = arith.constant 0 : index
    %get3A_3 = arith.constant 0 : index
    %get3A_4 = vector.load %arg1[%get3A_2, %get3A_3] : memref<64x8192xf32, #tpu.memory_space<vmem>>, vector<64x8192xf32>
    %dot_general3A = arith.constant dense<0.000000e+00> : vector<8192x64xf32>
    %dot_general3A_5 = tpu.matmul %get3A_4, %get3A_1, %dot_general3A {dimension_numbers = #tpu.dot_dimension_numbers<[0], [0], [1], [1], [0, 1, 1, 1], [], []>, transpose_lhs_hint = false} : vector<64x8192xf32>, vector<64x64xf32>, vector<8192x64xf32> -> vector<8192x64xf32>
    %get3A_6 = arith.constant 0 : index
    %get3A_7 = arith.constant 0 : index
    %get3A_8 = vector.load %arg2[%get3A_6, %get3A_7] : memref<64x8192xf32, #tpu.memory_space<vmem>>, vector<64x8192xf32>
    %dot_general3A_9 = arith.constant dense<0.000000e+00> : vector<8192x64xf32>
    %dot_general3A_10 = tpu.matmul %get3A_8, %get3A_1, %dot_general3A_9 {dimension_numbers = #tpu.dot_dimension_numbers<[0], [0], [1], [1], [0, 1, 1, 1], [], []>, transpose_lhs_hint = false} : vector<64x8192xf32>, vector<64x64xf32>, vector<8192x64xf32> -> vector<8192x64xf32>
    %concatenate3A = tpu.concatenate %dot_general3A_5, %dot_general3A_10 in 1 : vector<8192x64xf32>, vector<8192x64xf32> -> vector<8192x128xf32>
    %get3A_11 = arith.constant 0 : index
    %get3A_12 = arith.constant 0 : index
    %get3A_13 = vector.load %arg4[%get3A_11, %get3A_12] : memref<1x128xf32, #tpu.memory_space<vmem>>, vector<1x128xf32>
    %add3A = vector.broadcast %get3A_13 : vector<1x128xf32> to vector<8192x128xf32>
    %add3A_14 = arith.addf %concatenate3A, %add3A : vector<8192x128xf32>
    %swap3A = arith.constant 0 : index
    %swap3A_15 = arith.constant 0 : index
    %swap3A_16 = vector.load %arg5[%swap3A, %swap3A_15] : memref<8192x128xf32, #tpu.memory_space<vmem>>, vector<8192x128xf32>
    tpu.vector_store %arg5[%swap3A, %swap3A_15], %add3A_14 {strides = array<i32>} : memref<8192x128xf32, #tpu.memory_space<vmem>>, vector<8192x128xf32>,
    return
  }
  func.func @transform_0(%arg0: i32) -> (i32, i32) {
    %mul3A = arith.constant 2 : i32
    %mul3A_0 = arith.muli %mul3A, %arg0 : i32
    %min3A = arith.constant 122 : i32
    %min3A_1 = arith.minsi %mul3A_0, %min3A : i32
    %c0_i32 = arith.constant 0 : i32
    %c0_i32_2 = arith.constant 0 : i32
    return %c0_i32, %min3A_1 : i32, i32
  }
  func.func @transform_1(%arg0: i32) -> (i32, i32) {
    %mul3A = arith.constant 2 : i32
    %mul3A_0 = arith.muli %mul3A, %arg0 : i32
    %add3A = arith.constant 1 : i32
    %add3A_1 = arith.addi %mul3A_0, %add3A : i32
    %min3A = arith.constant 122 : i32
    %min3A_2 = arith.minsi %add3A_1, %min3A : i32
    %c0_i32 = arith.constant 0 : i32
    %c0_i32_3 = arith.constant 0 : i32
    return %c0_i32, %min3A_2 : i32, i32
  }
  func.func @transform_2(%arg0: i32) -> (i32, i32) {
    %c0_i32 = arith.constant 0 : i32
    %c0_i32_0 = arith.constant 0 : i32
    %c0_i32_1 = arith.constant 0 : i32
    return %c0_i32, %c0_i32_0 : i32, i32
  }
  func.func @transform_3(%arg0: i32) -> (i32, i32) {
    %c0_i32 = arith.constant 0 : i32
    %c0_i32_0 = arith.constant 0 : i32
    %c0_i32_1 = arith.constant 0 : i32
    return %c0_i32, %c0_i32_0 : i32, i32
  }
  func.func @transform_4(%arg0: i32) -> (i32, i32) {
    %c0_i32 = arith.constant 0 : i32
    %c0_i32_0 = arith.constant 0 : i32
    return %arg0, %c0_i32 : i32, i32
  }
}

module attributes {stable_mosaic.version = 14 : i64} {
  func.func @_unpack_body(%arg0: i32, %arg1: i32, %arg2: memref<1x8192x128xf32, #tpu.memory_space<vmem>>, %arg3: memref<1x64x8192xf32, #tpu.memory_space<vmem>>) attributes {dimension_semantics = [#tpu.dimension_semantics<arbitrary>, #tpu.dimension_semantics<arbitrary>], iteration_bounds = array<i64: 50, 2>, scalar_prefetch = 0 : i64, scratch_operands = 0 : i64, tpu.core_type = #tpu.core_type<tc>, window_params = [{transform_indices = @transform_0, window_bounds = array<i64: 1, 8192, 128>}, {transform_indices = @transform_1, window_bounds = array<i64: 1, 64, 8192>}]} {
    %get3A = arith.constant 0 : index
    %get3A_0 = arith.constant 0 : index
    %get3A_1 = arith.constant 0 : index
    %get3A_2 = vector.load %arg2[%get3A, %get3A_0, %get3A_1] : memref<1x8192x128xf32, #tpu.memory_space<vmem>>, vector<1x8192x128xf32>
    %get3A_3 = vector.shape_cast %get3A_2 : vector<1x8192x128xf32> to vector<8192x128xf32>
    %transpose3A = tpu.transpose %get3A_3, [1, 0] : vector<8192x128xf32> -> vector<128x8192xf32>
    %ge3A = arith.constant 1 : i32
    %ge3A_4 = arith.cmpi sge, %arg1, %ge3A : i32
    %slice3A = vector.extract_strided_slice %transpose3A {offsets = [64, 0], sizes = [64, 8192], strides = [1, 1]} : vector<128x8192xf32> to vector<64x8192xf32>
    %slice3A_5 = vector.extract_strided_slice %transpose3A {offsets = [0, 0], sizes = [64, 8192], strides = [1, 1]} : vector<128x8192xf32> to vector<64x8192xf32>
    %select_n3A = arith.select %ge3A_4, %slice3A, %slice3A_5 : vector<64x8192xf32>
    %swap3A = arith.constant 0 : index
    %swap3A_6 = arith.constant 0 : index
    %swap3A_7 = arith.constant 0 : index
    %swap3A_8 = vector.load %arg3[%swap3A, %swap3A_6, %swap3A_7] : memref<1x64x8192xf32, #tpu.memory_space<vmem>>, vector<1x64x8192xf32>
    %swap3A_9 = vector.shape_cast %swap3A_8 : vector<1x64x8192xf32> to vector<64x8192xf32>
    %swap3A_10 = vector.shape_cast %select_n3A : vector<64x8192xf32> to vector<1x64x8192xf32>
    tpu.vector_store %arg3[%swap3A, %swap3A_6, %swap3A_7], %swap3A_10 {strides = array<i32>} : memref<1x64x8192xf32, #tpu.memory_space<vmem>>, vector<1x64x8192xf32>,
    return
  }
  func.func @transform_0(%arg0: i32, %arg1: i32) -> (i32, i32, i32) {
    %rem3A = arith.constant 1 : i32
    %rem3A_0 = arith.remsi %arg1, %rem3A : i32
    %c0_i32 = arith.constant 0 : i32
    %c0_i32_1 = arith.constant 0 : i32
    return %arg0, %rem3A_0, %c0_i32 : i32, i32, i32
  }
  func.func @transform_1(%arg0: i32, %arg1: i32) -> (i32, i32, i32) {
    %c0_i32 = arith.constant 0 : i32
    %c0_i32_0 = arith.constant 0 : i32
    return %arg0, %c0_i32, %arg1 : i32, i32, i32
  }
}

</mosaic_0001>

<sc_bundles>
// kernel: kernel.5.cloned.1.call-start
scs
__scs_entry_jumppad:
0x0: {  	(pc) =	sbr.rel $0x88, $3  }
0x1: {  	(tag) =	ssettag $0x0;
	lr =	simm.s32 $0x1  }
0x2: {  	[smem:$0x3F9D] =	sst lr;
	_ =	strace $0xD0000000  }
0x3: {  	_ = 	snop  }
0x4: {  	_ = 	snop  }
0x5: {  	_ = 	snop  }
0x6: {  	_ = 	snop  }
0x7: {  	_ = 	snop  }
__scs_overlays_trampoline_lowered:
0x8: {  	[smem:$0x3FAC] =	sst s0  }
0x9: {  	[smem:$0x3FAD] =	sst s1  }
0xa: {  	[smem:$0x3FAE] =	sst s2  }
0xb: {  	[smem:$0x3FAF] =	sst s3  }
0xc: {  	[smem:$0x3FB0] =	sst s4  }
0xd: {  	[smem:$0x3FB1] =	sst s5  }
0xe: {  	[smem:$0x3FB2] =	sst s6  }
0xf: {  	[smem:$0x3FB3] =	sst s7  }
0x10: {  	[smem:$0x3FB4] =	sst s8  }
0x11: {  	[smem:$0x3FB5] =	sst s9;
	s0 =	simm.s32 @!p0 $0x0  }
0x12: {  	s1 =	sld [smem:$0x3F9B];
	s0 =	simm.s32 @p0 $0x1  }
0x13: {  	[smem:$0x3FB6] =	sst s0;
	s0 =	simm.s32 @!p1 $0x0  }
0x14: {  	s2 =	sld [smem:$0x3F9A];
	s0 =	simm.s32 @p1 $0x1  }
0x15: {  	[smem:$0x3FB7] =	sst s0;
	s0 =	simm.s32 @!p2 $0x0  }
0x16: {  	s3 =	sld [smem:$0x3FDB];
	s0 =	simm.s32 @p2 $0x1  }
0x17: {  	s4 =	simm.s32 $0x1BF5;
	[smem:$0x3FB9] =	sst s0  }
0x18: {  	s0 =	sld [smem:$0x3F9C];
	_ =	swait.ge [sflag:s4], $0x0  }
0x19: {  	s7 =	sld [smem:$0x3F9D]  }
0x1a: {  	s8 =	sadd.s32 $0xFFFFE003, lr  }
0x1b: {  	s9 =	sadd.s32 $0xFFFFFEF7, lr;
	s5 =	simm.s32 $0xFFFFFFFF;
	p2 =	slt.u32 s8, $0xFFFFF086  }
0x1c: {  	p1 =	slt.u32 s9, $0xF7A;
	s5 =	simm.s32 @!p2 $0x0  }
0x1d: {  	s5 =	simm.s32 @p1 $0x1;
	p0 =	seq.s32 s7, s2  }
0x1e: {  	s7 =	smul.u32 @!p0 $0xF7A, s2;
	p2 =	seq.s32 @!p0 s5, $0x0  }
0x1f: {  	s9 =	smul.u32 $0xF7A, s1;
	s8 =	simm.s32 @!p0 $0x1BF5;
	p2 =	por !p2, p0  }
0x20: {  	[sflag:s8] =	ssyncset.s32 @!p0 $0xFFFFF086;
	s6 =	sadd.s32 @!p0 s3, s7;
	s7 =	simm.s32 @!p0 $0x108  }
0x21: {  	s3 =	sadd.s32 s3, s9;
	s6 =	sadd.s32 @!p0 $0x88, s6;
	s7 =	simm.s32 @p2 $0x1082  }
0x22: {  	[simem:s7], [sflag:s8] =	dma.local @!p0 [hbm:s6], $0xF7A  }
0x23: {  	s9 =	sor.u32 $0xD0000000, s2;
	s6 =	simm.s32 $0x108;
	_ =	swait.ge @!p0 [sflag:s8], $0x0  }
0x24: {  	s3 =	sadd.s32 $0x88, s3;
	s6 =	simm.s32 @!p1 $0x1082;
	[sflag:s4] =	ssyncset.s32 $0xFFFFF086  }
0x25: {  	[simem:s6], [sflag:s4] =	dma.local [hbm:s3], $0xF7A  }
0x26: {  	[smem:$0x3F9D] =	sst s1;
	(tag) =	ssettag s2;
	_ =	strace s9  }
0x27: {  	s1 =	sld [smem:$0x3FAD]  }
0x28: {  	s2 =	sld [smem:$0x3FAE]  }
0x29: {  	s4 =	sld [smem:$0x3FB0]  }
0x2a: {  	p0 =	seq.s32 s5, $0x0;
	s5 =	sld [smem:$0x3FB1]  }
0x2b: {  	s6 =	sld [smem:$0x3FB2]  }
0x2c: {  	s7 =	sld [smem:$0x3FB3]  }
0x2d: {  	s3 =	simm.s32 $0x108;
	s8 =	sld [smem:$0x3FB4]  }
0x2e: {  	s3 =	simm.s32 @!p0 $0x1082;
	s9 =	sld [smem:$0x3FB5]  }
0x2f: {  	lr =	sadd.s32 s0, s3;
	s0 =	sld [smem:$0x3FAC]  }
0x30: {  	s3 =	sld [smem:$0x3FAF]  }
0x31: {  	[smem:$0x3FB8] =	sst s10  }
0x32: {  	s10 =	sld [smem:$0x3FB6];
	_ =	sdelay $0x3  }
0x33: {  	p0 =	seq.s32 s10, $0x1;
	s10 =	sld [smem:$0x3FB8];
	_ =	sdelay $0x3  }
0x34: {  	[smem:$0x3FB8] =	sst s10  }
0x35: {  	s10 =	sld [smem:$0x3FB7];
	_ =	sdelay $0x3  }
0x36: {  	p1 =	seq.s32 s10, $0x1;
	s10 =	sld [smem:$0x3FB8];
	_ =	sdelay $0x3  }
0x37: {  	[smem:$0x3FB8] =	sst s10  }
0x38: {  	s10 =	sld [smem:$0x3FB9]  }
0x39: {  	_ = 	snop;
	(pc) =	sbr.ind lr, $3  }
0x3a: {  	_ = 	snop  }
0x3b: {  	_ = 	snop  }
0x3c: {  	p2 =	seq.s32 s10, $0x1;
	s10 =	sld [smem:$0x3FB8]  }
0x3d: {  	_ =	shalt  }
0x3e: {  	_ =	shalt  }
0x3f: {  	_ =	shalt  }
0x40: {  	_ =	shalt  }
0x41: {  	_ =	shalt  }
0x42: {  	_ =	shalt  }
0x43: {  	_ =	shalt  }
0x44: {  	_ =	shalt  }
0x45: {  	_ =	shalt  }
0x46: {  	_ =	shalt  }
0x47: {  	_ =	shalt  }
0x48: {  	_ =	shalt  }
0x49: {  	_ =	shalt  }
0x4a: {  	_ =	shalt  }
0x4b: {  	_ =	shalt  }
0x4c: {  	_ =	shalt  }
0x4d: {  	_ =	shalt  }
0x4e: {  	_ =	shalt  }
0x4f: {  	_ =	shalt  }
0x50: {  	_ =	shalt  }
0x51: {  	_ =	shalt  }
0x52: {  	_ =	shalt  }
0x53: {  	_ =	shalt  }
0x54: {  	_ =	shalt  }
0x55: {  	_ =	shalt  }
0x56: {  	_ =	shalt  }
0x57: {  	_ =	shalt  }
0x58: {  	_ =	shalt  }
0x59: {  	_ =	shalt  }
0x5a: {  	_ =	shalt  }
0x5b: {  	_ =	shalt  }
0x5c: {  	_ =	shalt  }
0x5d: {  	_ =	shalt  }
0x5e: {  	_ =	shalt  }
0x5f: {  	_ =	shalt  }
0x60: {  	_ =	shalt  }
0x61: {  	_ =	shalt  }
0x62: {  	_ =	shalt  }
0x63: {  	_ =	shalt  }
0x64: {  	_ =	shalt  }
0x65: {  	_ =	shalt  }
0x66: {  	_ =	shalt  }
0x67: {  	_ =	shalt  }
0x68: {  	_ =	shalt  }
0x69: {  	_ =	shalt  }
0x6a: {  	_ =	shalt  }
0x6b: {  	_ =	shalt  }
0x6c: {  	_ =	shalt  }
0x6d: {  	_ =	shalt  }
0x6e: {  	_ =	shalt  }
0x6f: {  	_ =	shalt  }
0x70: {  	_ =	shalt  }
0x71: {  	_ =	shalt  }
0x72: {  	_ =	shalt  }
0x73: {  	_ =	shalt  }
0x74: {  	_ =	shalt  }
0x75: {  	_ =	shalt  }
0x76: {  	_ =	shalt  }
0x77: {  	_ =	shalt  }
0x78: {  	_ =	shalt  }
0x79: {  	_ =	shalt  }
0x7a: {  	_ =	shalt  }
0x7b: {  	_ =	shalt  }
0x7c: {  	_ =	shalt  }
0x7d: {  	_ =	shalt  }
0x7e: {  	_ =	shalt  }
0x7f: {  	_ =	shalt  }
0x80: {  	_ =	shalt  }
0x81: {  	_ =	shalt  }
0x82: {  	_ =	shalt  }
0x83: {  	_ =	shalt  }
0x84: {  	_ =	shalt  }
0x85: {  	_ =	shalt  }
0x86: {  	_ =	shalt  }
0x87: {  	_ =	shalt  }
.Lfunc_end0:
.L_simem_size_0:
called_computation_lowered:
.L_overlay_start_0:
0x88: {  	s2 =	sld [smem:$0x3FD9]  }
0x89: {  	s3 =	sld [smem:$0x3FFE];
	_ =	sdelay $0x1  }
0x8a: {  	s1 =	srdreg.scid  }
0x8b: {  	s0 =	sand.u32 $0x1, s1  }
0x8c: {  	s16 =	sshll.u32 s0, $0xA;
	s2 =	sadd.s32 s3, s2  }
0x8d: {  	s2 =	sadd.s32 s2, s16  }
0x8e: {  	[smem:$0x3FC4] =	sst s2  }
0x8f: {  	_ = 	snop  }
0x90: {  	(tm) =	ssettm $0x1  }
0x91: {  	s17 =	sld [smem:$0x3FFB];
	_ =	sdelay $0x3  }
0x92: {  	_ =	strace s17  }
0x93: {  	s2 =	sld [smem:$0x3FFC];
	_ =	sdelay $0x3  }
0x94: {  	_ =	strace s2  }
0x95: {  	s2 =	sld [smem:$0x3FFD];
	_ =	sdelay $0x3  }
0x96: {  	_ =	strace s2  }
0x97: {  	_ =	strace $0x8FFFFFFF  }
0x98: {  	s18 =	sld [smem:$0x3FDB];
	_ =	sdelay $0x1  }
0x99: {  	s19 =	simm.s32 $_scs_section_size  }
0x9a: {  	s4 =	simm.s32 $_size__tile_overlayer_lowered;
	s5 =	simm.s32 $_tile_overlayer_lowered  }
0x9b: {  	s22 =	simm.s32 $0x1BFF;
	s21 =	sshll.u32 s5, $0x1;
	s2 =	sadd.s32 s19, s18  }
0x9c: {  	s6 =	simm.s32 $0x0;
	s20 =	sshll.u32 s4, $0x1;
	s4 =	sadd.s32 s21, s2  }
0x9d: {  	[timem:s6], [sflag:s22] =	dma.local [hbm:s4], s20  }
0x9e: {  	_ =	swait.ge [sflag:s22], s20  }
0x9f: {  	s3 =	ssub.s32 $0x0, s20;
	[sflag:s22] =	ssyncset.done $0x0  }
0xa0: {  	[sflag:s22] =	ssyncadd.s32 s3;
	_ =	sdelay $0x1  }
0xa1: {  	s23 =	simm.s32 $0x1B8B  }
0xa2: {  	_ =	swait.ge [sflag:s23], $0x1  }
0xa3: {  	[sflag:s23] =	ssyncset.done $0x0  }
0xa4: {  	s25 =	simm.s32 $0x1B8E;
	s24 =	sld [smem:$0x3FFE];
	[sflag:s23] =	ssyncadd.s32 $0xFFFFFFFF  }
0xa5: {  	s26 =	simm.s32 $execute0_lowered;
	[smem:$0x3FD2] =	sst s25  }
0xa6: {  	s4 =	sshll.u32 s26, $0x1;
	_ =	strace $0x80000046;
	[dreg:$0x1] =	wrdreg $0xFFFFFFFF  }
0xa7: {  	s28 =	simm.s32 $_size_execute0_lowered;
	s2 =	sadd.s32 s2, s4;
	[dreg:$0x0] =	wrdreg $0x0  }
0xa8: {  	s4 =	sshll.u32 s28, $0x1;
	[dreg:$0x2] =	wrdreg s2  }
0xa9: {  	[dreg:$0x3] =	wrdreg s4  }
0xaa: {  	[dreg:$0x4] =	wrdreg $0xC0  }
0xab: {  	_ =	task [dreg:s6], $0x5FFFF  }
0xac: {  	[dreg:$0x1] =	wrdreg $0xFFFFFFFF  }
0xad: {  	[dreg:$0x0] =	wrdreg $0x60  }
0xae: {  	[dreg:$0x2] =	wrdreg s24  }
0xaf: {  	[dreg:$0x3] =	wrdreg $0x9  }
0xb0: {  	_ =	task.clear_ibuf [dreg:s6], $0x4FFFF;
	_ =	strace $0x90000046  }
0xb1: {  	s29 =	simm.s32 $0x9;
	_ =	strace $0x80000048  }
0xb2: {  	_ =	swait.ge [sflag:s29], $0x1  }
0xb3: {  	[sflag:s29] =	ssyncadd.s32 $0xFFFFFFFF  }
0xb4: {  	_ =	strace $0x90000048  }
0xb5: {  	_ =	sfence  }
0xb6: {  	s30 =	sld [smem:$0x0];
	_ =	sdelay $0x2  }
0xb7: {  	s31 =	sshll.u32 s1, $0xD;
	s1 =	sshrl.u32 s1, $0x2  }
0xb8: {  	s3 =	sand.u32 $0x4000, s31;
	s1 =	sadd.s32 s1, s30  }
0xb9: {  	s0 =	sor.u32 s3, s0;
	s1 =	sshll.u32 s1, $0x11  }
0xba: {  	s0 =	sor.u32 s1, s0  }
0xbb: {  	s0 =	sadd.s32 $0x8F2B, s0  }
0xbc: {  	[sflag:s0] =	ssyncadd.remote.s32 $0x1  }
0xbd: {  	_ =	sfence.sel $0xFFFF  }
0xbe: {  	[dreg:$0x0] =	wrdreg $0xFFFFFFFF;
	(pc) =	sbr.abs _section_cstart, $3  }
0xbf: {  	[dreg:$0x1] =	wrdreg $0xFFFFFFFF  }
0xc0: {  	_ =	task.clear_ibuf [dreg:s6], $0x2FFFF;
	_ =	strace $0x9FFFFFFF  }
0xc1: {  	(tm) =	ssettm $0x7FFFFFFF  }
tec
execute0_lowered:
.L_overlay_start_1:
0x0: {  	(tag) =	ssettag $0x1  }
0x1: {  	s0 =	srdreg.scid  }
0x2: {  	s7 =	stileid.u32;
	s1 =	rddreg [dreg:$0x0];
	s2 =	simm.s32 $0x0  }
0x3: {  	s10 =	simm.s32 $0x3;
	s11 =	simm.s32 $0x80;
	s12 =	simm.s32 $0x6400  }
0x4: {  	s13 =	simm.s32 $0x8400;
	s15 =	simm.s32 $0xA400;
	s16 =	simm.s32 $0x180  }
0x5: {  	s17 =	simm.s32 $0xC400;
	s18 =	simm.s32 $0x200;
	s19 =	simm.s32 $0xE400  }
0x6: {  	s20 =	simm.s32 $0x280;
	s21 =	simm.s32 $0x10400;
	s22 =	simm.s32 $0x300  }
0x7: {  	s23 =	simm.s32 $0x12400;
	s24 =	simm.s32 $0x380;
	s25 =	simm.s32 $0x14400  }
0x8: {  	s26 =	simm.s32 $0x1;
	s28 =	simm.s32 $0x2;
	s0 =	sand.u32 $0x1, s0  }
0x9: {  	s3 =	sshll.u32 s7, $0x1;
	[smem:$0x7FF] =	sst s2;
	s7 =	smul.u32 $0x320000, s7  }
0xa: {  	s3 =	sor.u32 s0, s3;
	s6 =	ssub.s32 $0x2, s0;
	s0 =	smul.u32 $0x190000, s0  }
0xb: {  	s29 =	simm.s32 $0x0;
	_ =	strace $0x80000047;
	s4 =	smul.u32 $0xC80, s3  }
0xc: {  	s5 =	smul.u32 $0x190000, s3;
	s3 =	sadd.s32 $0x19600, s1;
	s8 =	sshrl.u32 s6, $0x1  }
0xd: {  	s8 =	ssub.s32 s6, s8;
	s0 =	sadd.s32 s0, s7;
	s4 =	sadd.s32 s4, s1  }
0xe: {  	s1 =	sadd.s32 $0x7D9600, s1;
	s5 =	sshrl.u32 s5, $0x3;
	s9 =	sor.u32 $0x8000, s0  }
0xf: {  	s7 =	smax.u32 s8, $0x1;
	s0 =	sshrl.u32 s0, $0x3;
	s4 =	sadd.s32 $0x600, s4  }
0x10: {  	s30 =	sadd.s32 s1, s5;
	s31 =	sshrl.u32 s9, $0x3;
	s9 =	sadd.s32 s0, s1  }
0x11: {  	s5 =	sadd.s32 $0x30000, s30;
	s6 =	sadd.s32 $0x31000, s30;
	s8 =	sadd.s32 s31, s1  }
.LBB2_1:
0x12: {  	[tilespmem:s2], [sflag:$0x3] =	stream.linear.gather [hbm4b:s4+s2], $0x6400, $0x38;
	[tilespmem:$0x16400] =	vst v63  }
0x13: {  	_ =	swait.ge [sflag:s10], $0x6400  }
0x14: {  	[sflag:s10] =	ssyncset.done $0x0  }
0x15: {  	[sflag:s10] =	ssyncadd.s32 $0xFFFF9C00  }
0x16: {  	[tilespmem:s12], [sflag:$0x1] =	stream.indirect.gather [hbm4b:s3+s11], $0x40, s2, s11, $0xb8;
	[tilespmem:$0x16400] =	vst v63  }
0x17: {  	_ = 	snop  }
0x18: {  	[tilespmem:s13], [sflag:$0x1] =	stream.indirect.gather [hbm4b:s3+s11], $0x40, s11, s11, $0xb8;
	[tilespmem:$0x16400] =	vst v63  }
0x19: {  	s0 =	simm.s32 $0x100  }
0x1a: {  	[tilespmem:s15], [sflag:$0x1] =	stream.indirect.gather [hbm4b:s3+s11], $0x40, s0, s11, $0xb8;
	[tilespmem:$0x16400] =	vst v63  }
0x1b: {  	_ = 	snop  }
0x1c: {  	[tilespmem:s17], [sflag:$0x1] =	stream.indirect.gather [hbm4b:s3+s11], $0x40, s16, s11, $0xb8;
	[tilespmem:$0x16400] =	vst v63  }
0x1d: {  	_ = 	snop  }
0x1e: {  	[tilespmem:s19], [sflag:$0x2] =	stream.indirect.gather [hbm4b:s3+s11], $0x40, s18, s11, $0xb8;
	[tilespmem:$0x16400] =	vst v63  }
0x1f: {  	_ = 	snop  }
0x20: {  	[tilespmem:s21], [sflag:$0x2] =	stream.indirect.gather [hbm4b:s3+s11], $0x40, s20, s11, $0xb8;
	[tilespmem:$0x16400] =	vst v63  }
0x21: {  	_ = 	snop  }
0x22: {  	[tilespmem:s23], [sflag:$0x2] =	stream.indirect.gather [hbm4b:s3+s11], $0x40, s22, s11, $0xb8;
	[tilespmem:$0x16400] =	vst v63  }
0x23: {  	_ = 	snop  }
0x24: {  	[tilespmem:s25], [sflag:$0x2] =	stream.indirect.gather [hbm4b:s3+s11], $0x40, s24, s11, $0xb8;
	[tilespmem:$0x16400] =	vst v63  }
0x25: {  	_ =	swait.ge [sflag:s26], $0x8000  }
0x26: {  	[sflag:s26] =	ssyncset.done $0x0  }
0x27: {  	[sflag:s26] =	ssyncadd.s32 $0xFFFF8000  }
0x28: {  	[hbm4b:s9+s2] =	stream.linear.scatter [tilespmem:s12], [sflag:$0x3], $0x8000, $0x38;
	[tilespmem:$0x16400] =	vst v63  }
0x29: {  	_ =	swait.ge [sflag:s10], $0x8000  }
0x2a: {  	[sflag:s10] =	ssyncset.done $0x0  }
0x2b: {  	s14 =	simm.s32 $0x400;
	[sflag:s10] =	ssyncadd.s32 $0xFFFF8000  }
0x2c: {  	[tilespmem:s12], [sflag:$0x1] =	stream.indirect.gather [hbm4b:s3+s11], $0x40, s14, s11, $0xb8;
	[tilespmem:$0x16400] =	vst v63  }
0x2d: {  	s1 =	simm.s32 $0x480  }
0x2e: {  	[tilespmem:s13], [sflag:$0x1] =	stream.indirect.gather [hbm4b:s3+s11], $0x40, s1, s11, $0xb8;
	[tilespmem:$0x16400] =	vst v63  }
0x2f: {  	s14 =	simm.s32 $0x500  }
0x30: {  	[tilespmem:s15], [sflag:$0x1] =	stream.indirect.gather [hbm4b:s3+s11], $0x40, s14, s11, $0xb8;
	[tilespmem:$0x16400] =	vst v63  }
0x31: {  	s1 =	simm.s32 $0x580  }
0x32: {  	[tilespmem:s17], [sflag:$0x1] =	stream.indirect.gather [hbm4b:s3+s11], $0x40, s1, s11, $0xb8;
	[tilespmem:$0x16400] =	vst v63  }
0x33: {  	_ =	swait.ge [sflag:s28], $0x8000  }
0x34: {  	[sflag:s28] =	ssyncset.done $0x0  }
0x35: {  	[sflag:s28] =	ssyncadd.s32 $0xFFFF8000  }
0x36: {  	[hbm4b:s8+s2] =	stream.linear.scatter [tilespmem:s19], [sflag:$0x3], $0x8000, $0x38;
	[tilespmem:$0x16400] =	vst v63  }
0x37: {  	_ =	swait.ge [sflag:s10], $0x8000  }
0x38: {  	[sflag:s10] =	ssyncset.done $0x0  }
0x39: {  	s14 =	simm.s32 $0x600;
	[sflag:s10] =	ssyncadd.s32 $0xFFFF8000  }
0x3a: {  	[tilespmem:s19], [sflag:$0x2] =	stream.indirect.gather [hbm4b:s3+s11], $0x40, s14, s11, $0xb8;
	[tilespmem:$0x16400] =	vst v63  }
0x3b: {  	s30 =	simm.s32 $0x1000;
	s31 =	sadd.s32 $0x2000, s8;
	s1 =	simm.s32 $0x680  }
0x3c: {  	[tilespmem:s21], [sflag:$0x2] =	stream.indirect.gather [hbm4b:s3+s11], $0x40, s1, s11, $0xb8;
	[tilespmem:$0x16400] =	vst v63  }
0x3d: {  	s0 =	simm.s32 $0x780;
	s14 =	simm.s32 $0x700;
	s1 =	sadd.s32 $0x2000, s9  }
0x3e: {  	[tilespmem:s23], [sflag:$0x2] =	stream.indirect.gather [hbm4b:s3+s11], $0x40, s14, s11, $0xb8;
	[tilespmem:$0x16400] =	vst v63  }
.LBB2_2:
0x3f: {  	[tilespmem:s25], [sflag:$0x2] =	stream.indirect.gather [hbm4b:s3+s11], $0x40, s0, s11, $0xb8;
	[tilespmem:$0x16400] =	vst v63  }
0x40: {  	s0 =	smov.u32 s30  }
0x41: {  	p0 =	sne.s32 s30, $0x17000;
	s30 =	sadd.s32 $0x1000, s30;
	_ =	swait.ge [sflag:s26], $0x8000  }
0x42: {  	[sflag:s26] =	ssyncset.done $0x0  }
0x43: {  	[sflag:s26] =	ssyncadd.s32 $0xFFFF8000  }
0x44: {  	[hbm4b:s1+s2] =	stream.linear.scatter [tilespmem:s12], [sflag:$0x3], $0x8000, $0x38;
	[tilespmem:$0x16400] =	vst v63  }
0x45: {  	_ =	swait.ge [sflag:s10], $0x8000  }
0x46: {  	s0 =	sshra.s32 s0, $0x2;
	[sflag:s10] =	ssyncset.done $0x0  }
0x47: {  	s14 =	sadd.s32 $0x400, s0;
	[sflag:s10] =	ssyncadd.s32 $0xFFFF8000  }
0x48: {  	[tilespmem:s12], [sflag:$0x1] =	stream.indirect.gather [hbm4b:s3+s11], $0x40, s14, s11, $0xb8;
	[tilespmem:$0x16400] =	vst v63  }
0x49: {  	s14 =	sadd.s32 $0x480, s0  }
0x4a: {  	[tilespmem:s13], [sflag:$0x1] =	stream.indirect.gather [hbm4b:s3+s11], $0x40, s14, s11, $0xb8;
	[tilespmem:$0x16400] =	vst v63  }
0x4b: {  	s14 =	sadd.s32 $0x500, s0  }
0x4c: {  	[tilespmem:s15], [sflag:$0x1] =	stream.indirect.gather [hbm4b:s3+s11], $0x40, s14, s11, $0xb8;
	[tilespmem:$0x16400] =	vst v63  }
0x4d: {  	s14 =	sadd.s32 $0x580, s0  }
0x4e: {  	[tilespmem:s17], [sflag:$0x1] =	stream.indirect.gather [hbm4b:s3+s11], $0x40, s14, s11, $0xb8;
	[tilespmem:$0x16400] =	vst v63  }
0x4f: {  	_ =	swait.ge [sflag:s28], $0x8000  }
0x50: {  	[sflag:s28] =	ssyncset.done $0x0  }
0x51: {  	[sflag:s28] =	ssyncadd.s32 $0xFFFF8000  }
0x52: {  	[hbm4b:s31+s2] =	stream.linear.scatter [tilespmem:s19], [sflag:$0x3], $0x8000, $0x38;
	[tilespmem:$0x16400] =	vst v63  }
0x53: {  	_ =	swait.ge [sflag:s10], $0x8000  }
0x54: {  	[sflag:s10] =	ssyncset.done $0x0  }
0x55: {  	s14 =	sadd.s32 $0x600, s0;
	[sflag:s10] =	ssyncadd.s32 $0xFFFF8000  }
0x56: {  	[tilespmem:s19], [sflag:$0x2] =	stream.indirect.gather [hbm4b:s3+s11], $0x40, s14, s11, $0xb8;
	[tilespmem:$0x16400] =	vst v63  }
.Ltmp0:
0x57: {  	s14 =	sadd.s32 $0x680, s0;
	(pc) =	sbr.rel @p0 .LBB2_2-.Ltmp0, $4  }
0x58: {  	[tilespmem:s21], [sflag:$0x2] =	stream.indirect.gather [hbm4b:s3+s11], $0x40, s14, s11, $0xb8;
	[tilespmem:$0x16400] =	vst v63  }
0x59: {  	s14 =	sadd.s32 $0x700, s0  }
0x5a: {  	[tilespmem:s23], [sflag:$0x2] =	stream.indirect.gather [hbm4b:s3+s11], $0x40, s14, s11, $0xb8;
	[tilespmem:$0x16400] =	vst v63  }
0x5b: {  	s1 =	sadd.s32 $0x2000, s1;
	s31 =	sadd.s32 $0x2000, s31;
	s0 =	sadd.s32 $0x780, s0  }
0x5c: {  	[tilespmem:s25], [sflag:$0x2] =	stream.indirect.gather [hbm4b:s3+s11], $0x40, s0, s11, $0xb8;
	[tilespmem:$0x16400] =	vst v63  }
0x5d: {  	_ =	swait.ge [sflag:s26], $0x8000  }
0x5e: {  	[sflag:s26] =	ssyncset.done $0x0  }
0x5f: {  	[sflag:s26] =	ssyncadd.s32 $0xFFFF8000  }
0x60: {  	[hbm4b:s5+s2] =	stream.linear.scatter [tilespmem:s12], [sflag:$0x3], $0x8000, $0x38;
	[tilespmem:$0x16400] =	vst v63  }
0x61: {  	_ =	swait.ge [sflag:s10], $0x8000  }
0x62: {  	[sflag:s10] =	ssyncset.done $0x0  }
0x63: {  	[sflag:s10] =	ssyncadd.s32 $0xFFFF8000  }
0x64: {  	s29 =	sadd.s32 $0x1, s29;
	_ =	swait.ge [sflag:s28], $0x8000  }
0x65: {  	p0 =	sne.s32 s29, s7;
	[sflag:s28] =	ssyncset.done $0x0  }
.Ltmp1:
0x66: {  	[sflag:s28] =	ssyncadd.s32 $0xFFFF8000;
	(pc) =	sbr.rel @p0 .LBB2_1-.Ltmp1, $4  }
0x67: {  	[hbm4b:s6+s2] =	stream.linear.scatter [tilespmem:s19], [sflag:$0x3], $0x8000, $0x38;
	[tilespmem:$0x16400] =	vst v63  }
0x68: {  	_ =	swait.ge [sflag:s10], $0x8000  }
0x69: {  	[sflag:s10] =	ssyncset.done $0x0  }
0x6a: {  	[sflag:s10] =	ssyncadd.s32 $0xFFFF8000  }
0x6b: {  	_ =	sfence.sel $0x180000  }
0x6c: {  	[bflag:$0x0] =	sbarrier.arrive $0xFFFF  }
0x6d: {  	_ =	strace $0x90000047  }
0x6e: {  	s0 =	stileid.u32;
	[bflag:$0x2] =	sbarrier.arrive $0xFFFF  }
0x6f: {  	p0 =	sne.s32 s0, $0x0;
	s0 =	rddreg [dreg:$0x1]  }
0x70: {  	s0 =	sadd.s32 @!p0 $0x100000, s0  }
0x71: {  	[sflag:s0] =	ssyncadd.tile.s32 @!p0 $0x1;
	_ =	shalt  }
.Lfunc_end2:
_tile_overlayer_lowered:
.L_overlay_start_2:
0x72: {  	(tag) =	ssettag $0x2  }
0x73: {  	s0 =	rddreg [dreg:$0x0];
	s2 =	stileid.u32  }
0x74: {  	s1 =	rddreg [dreg:$0x1];
	p0 =	sne.s32 s2, $0x0  }
0x75: {  	s3 =	rddreg [dreg:$0x2];
	[bflag:$0x3] =	sbarrier.arrive $0xFFFF;
	s2 =	simm.s32 @!p0 $0x1C03  }
0x76: {  	[timem:s3], [sflag:s2] =	dma.local @!p0 [hbm:s0], s1  }
0x77: {  	s0 =	simm.s32 @!p0 $0x3  }
0x78: {  	_ =	swait.ge @!p0 [sflag:s0], s1  }
0x79: {  	s1 =	ssub.s32 @!p0 $0x0, s1;
	[sflag:s0] =	ssyncset.done @!p0 $0x0  }
0x7a: {  	[sflag:s0] =	ssyncadd.s32 @!p0 s1  }
0x7b: {  	[bflag:$0x3] =	sbarrier.arrive $0xFFFF  }
0x7c: {  	_ =	shalt  }

</sc_bundles>
